<compile_context>
chip_gen: v7x
topology: tpu7x:2x2x1
jax: 0.10.2.dev20260603
libtpu: 0.0.44.dev20260713+nightly
codegen_flags: <defaults>
</compile_context>

<pallas_src>
import functools

import jax
import jax.numpy as jnp
from jax import lax
from jax.experimental import pallas as pl
from jax.experimental.pallas import tpu as pltpu
from jax.experimental.pallas import tpu_sc as plsc

N = 10000
E = 320000
D_IN = 128
HIDDEN = 256
NUM_CLASSES = 64

NC = 2
NS = 16
CHUNK = 128

E_PAD = 327680
K_HALF = E_PAD // (NC * NS * CHUNK)
K_GRP2 = 40

NR = 10112
RPT = NR // NS
BN = 400
GRID = N // BN

_mesh = lambda: plsc.VectorSubcoreMesh(
    core_axis_name="c", subcore_axis_name="s", num_cores=NC, num_subcores=NS
)


def _zero_rows(buf, nrows, ncols):
    @pl.loop(0, nrows)
    def _(i):
        @pl.loop(0, ncols // 16)
        def _(k):
            buf[i, pl.ds(k * 16, 16)] = jnp.zeros((16,), jnp.float32)


def _zero_acc_slice(zbuf, acc, base):
    full = RPT // CHUNK
    rem = RPT - full * CHUNK
    for k in range(full):
        pltpu.sync_copy(zbuf, acc.at[pl.ds(base + k * CHUNK, CHUNK)])
    if rem:
        pltpu.sync_copy(zbuf.at[pl.ds(0, rem)], acc.at[pl.ds(base + full * CHUNK, rem)])


def _deg_body(dst_hbm, out_hbm, buf, dstbuf, acc):
    c = lax.axis_index("c")
    sid = lax.axis_index("s")
    base = sid * RPT
    _zero_rows(buf, CHUNK, 128)
    _zero_acc_slice(buf, acc, base)
    @pl.loop(0, CHUNK)
    def _(i):
        @pl.loop(0, 8)
        def _(k):
            buf[i, pl.ds(k * 16, 16)] = jnp.full((16,), 1.0, jnp.float32)
    pltpu.sync_copy(dst_hbm.at[c, sid], dstbuf)
    plsc.subcore_barrier()
    @pl.loop(0, K_HALF)
    def _(j):
        pltpu.sync_copy(buf, acc.at[dstbuf.at[j]], add=True)
    plsc.subcore_barrier()
    pltpu.sync_copy(acc.at[pl.ds(base, RPT)], out_hbm.at[c, pl.ds(base, RPT)])


@functools.lru_cache(maxsize=None)
def _get_deg_kernel():
    return pl.kernel(
        _deg_body,
        out_type=jax.ShapeDtypeStruct((NC, NR, 128), jnp.float32),
        mesh=_mesh(),
        scratch_types=[
            pltpu.VMEM((CHUNK, 128), jnp.float32),
            pltpu.VMEM((K_HALF, CHUNK), jnp.int32),
            pltpu.VMEM_SHARED((NR, 128), jnp.float32),
        ],
    )


def _segsum2_body(s_hbm, src_hbm, dst_hbm, out_hbm, srcbuf, dstbuf, rows0, rows1,
                  acc, sem0, sem1, ssem0, ssem1):
    c = lax.axis_index("c")
    sid = lax.axis_index("s")
    base = sid * RPT
    _zero_rows(rows0, CHUNK, 128)
    _zero_acc_slice(rows0, acc, base)
    plsc.subcore_barrier()
    @pl.loop(0, K_HALF // K_GRP2)
    def _(g):
        pltpu.sync_copy(src_hbm.at[c, sid, pl.ds(g * K_GRP2, K_GRP2)], srcbuf)
        pltpu.sync_copy(dst_hbm.at[c, sid, pl.ds(g * K_GRP2, K_GRP2)], dstbuf)
        pltpu.async_copy(s_hbm.at[srcbuf.at[0]], rows0, sem0)
        @pl.loop(0, K_GRP2, step=2)
        def _(j):
            j1 = j + 1
            j2 = jnp.minimum(j + 2, K_GRP2 - 1)
            pltpu.async_copy(s_hbm.at[srcbuf.at[j1]], rows1, sem1)
            pltpu.make_async_copy(s_hbm.at[srcbuf.at[j]], rows0, sem0).wait()
            pltpu.sync_copy(rows0, acc.at[dstbuf.at[j]], add=True)
            pltpu.async_copy(s_hbm.at[srcbuf.at[j2]], rows0, sem0)
            pltpu.make_async_copy(s_hbm.at[srcbuf.at[j1]], rows1, sem1).wait()
            pltpu.sync_copy(rows1, acc.at[dstbuf.at[j1]], add=True)
        pltpu.make_async_copy(s_hbm.at[srcbuf.at[K_GRP2 - 1]], rows0, sem0).wait()
    plsc.subcore_barrier()
    pltpu.sync_copy(acc.at[pl.ds(base, RPT)], out_hbm.at[c, pl.ds(base, RPT)])


@functools.lru_cache(maxsize=None)
def _get_segsum2():
    return pl.kernel(
        _segsum2_body,
        out_type=jax.ShapeDtypeStruct((NC, NR, 128), jnp.float32),
        mesh=_mesh(),
        scratch_types=[
            pltpu.VMEM((K_GRP2, CHUNK), jnp.int32),
            pltpu.VMEM((K_GRP2, CHUNK), jnp.int32),
            pltpu.VMEM((CHUNK, 128), jnp.float32),
            pltpu.VMEM((CHUNK, 128), jnp.float32),
            pltpu.VMEM_SHARED((NR, 128), jnp.float32),
            pltpu.SemaphoreType.DMA,
            pltpu.SemaphoreType.DMA,
            pltpu.SemaphoreType.DMA,
            pltpu.SemaphoreType.DMA,
        ],
    )


def _dense1_body(degp_ref, x_ref, xs_ref, dinv_ref):
    deg = degp_ref[0][:, :16] + degp_ref[1][:, :16] + 1.0
    dinv = lax.rsqrt(deg)
    dinv_ref[...] = dinv
    xs_ref[...] = x_ref[...] * dinv[:, 0:1]


_dense1 = pl.pallas_call(
    _dense1_body,
    grid=(GRID,),
    in_specs=[
        pl.BlockSpec((NC, BN, 128), lambda j: (0, j, 0)),
        pl.BlockSpec((BN, D_IN), lambda j: (j, 0)),
    ],
    out_specs=[
        pl.BlockSpec((BN, D_IN), lambda j: (j, 0)),
        pl.BlockSpec((BN, 16), lambda j: (j, 0)),
    ],
    out_shape=[
        jax.ShapeDtypeStruct((N, D_IN), jnp.float32),
        jax.ShapeDtypeStruct((N, 16), jnp.float32),
    ],
)


def _dense2_body(t1_ref, x_ref, dinv_ref, b1_ref, w1_ref, w2_ref, s2_ref):
    di = dinv_ref[...][:, 0:1]
    z = t1_ref[0] + t1_ref[1] + x_ref[...] * di
    h = jnp.maximum(
        di * jnp.dot(z, w1_ref[...], preferred_element_type=jnp.float32)
        + b1_ref[...], 0.0)
    s2_ref[...] = jnp.dot(h, w2_ref[...], preferred_element_type=jnp.float32) * di


_dense2 = pl.pallas_call(
    _dense2_body,
    grid=(GRID,),
    in_specs=[
        pl.BlockSpec((NC, BN, 128), lambda j: (0, j, 0)),
        pl.BlockSpec((BN, D_IN), lambda j: (j, 0)),
        pl.BlockSpec((BN, 16), lambda j: (j, 0)),
        pl.BlockSpec((1, HIDDEN), lambda j: (0, 0)),
        pl.BlockSpec((D_IN, HIDDEN), lambda j: (0, 0)),
        pl.BlockSpec((HIDDEN, NUM_CLASSES), lambda j: (0, 0)),
    ],
    out_specs=pl.BlockSpec((BN, NUM_CLASSES), lambda j: (j, 0)),
    out_shape=jax.ShapeDtypeStruct((N, NUM_CLASSES), jnp.float32),
)


def _dense3_body(t2_ref, s2_ref, dinv_ref, b2_ref, o_ref):
    di = dinv_ref[...][:, 0:1]
    t = t2_ref[0][:, :NUM_CLASSES] + t2_ref[1][:, :NUM_CLASSES]
    o_ref[...] = jnp.maximum(di * (t + s2_ref[...]) + b2_ref[...], 0.0)


_dense3 = pl.pallas_call(
    _dense3_body,
    grid=(GRID,),
    in_specs=[
        pl.BlockSpec((NC, BN, 128), lambda j: (0, j, 0)),
        pl.BlockSpec((BN, NUM_CLASSES), lambda j: (j, 0)),
        pl.BlockSpec((BN, 16), lambda j: (j, 0)),
        pl.BlockSpec((1, NUM_CLASSES), lambda j: (0, 0)),
    ],
    out_specs=pl.BlockSpec((BN, NUM_CLASSES), lambda j: (j, 0)),
    out_shape=jax.ShapeDtypeStruct((N, NUM_CLASSES), jnp.float32),
)


@jax.jit
def kernel(x, edge_index, W1, b1, W2, b2):
    src = edge_index[0]
    dst = edge_index[1]
    pad = E_PAD - E
    pad_ar = jnp.arange(pad, dtype=jnp.int32)
    srcp = jnp.concatenate([src, pad_ar % N])
    dstp = jnp.concatenate([dst, N + pad_ar % (NR - N)])
    src_half = srcp.reshape(NC, NS, K_HALF, CHUNK)
    dst_half = dstp.reshape(NC, NS, K_HALF, CHUNK)

    degp = _get_deg_kernel()(dst_half)
    xs, dinv16 = _dense1(degp, x)
    t1 = _get_segsum2()(xs, src_half, dst_half)
    s2 = _dense2(t1, x, dinv16, b1.reshape(1, HIDDEN), W1, W2)
    s2p = jnp.pad(s2, ((0, 0), (0, 128 - NUM_CLASSES)))
    t2 = _get_segsum2()(s2p, src_half, dst_half)
    out = _dense3(t2, s2, dinv16, b2.reshape(1, NUM_CLASSES))
    return out

# --- scband reference (transcript-rebuilt; emitter-appended) ---
"""Pipeline reference for scband-gcn-86466281603834 (READ-ONLY COPY).

The authoritative reference and input builder live on the scoring server;
editing this copy changes nothing except your own understanding.
"""

import jax, jax.numpy as jnp
import numpy as np

N = 10000
E = 320000
D_IN = 128
HIDDEN = 256
NUM_CLASSES = 64

def _glorot(key, fan_in, fan_out):
    limit = float(np.sqrt(6.0 / (fan_in + fan_out)))
    return jax.random.uniform(key, (fan_in, fan_out), minval=-limit, maxval=limit, dtype=jnp.float32)

def setup_inputs(seed: int = 0):
    key = jax.random.key(seed)
    k1, k2, k3, k4 = jax.random.split(key, 4)
    x = jax.random.normal(k1, (N, D_IN), dtype=jnp.float32)
    edge_index = jax.random.randint(k2, (2, E), 0, N, dtype=jnp.int32)
    W1 = _glorot(k3, D_IN, HIDDEN)
    b1 = jnp.zeros((HIDDEN,), dtype=jnp.float32)
    W2 = _glorot(k4, HIDDEN, NUM_CLASSES)
    b2 = jnp.zeros((NUM_CLASSES,), dtype=jnp.float32)
    return {"x": x, "edge_index": edge_index, "W1": W1, "b1": b1, "W2": W2, "b2": b2}

def _gcn_conv(x, edge_index, W, b):
    # GCNConv: add self-loops, symmetric normalization, then aggregate
    n = x.shape[0]
    loop = jnp.arange(n, dtype=edge_index.dtype)
    src = jnp.concatenate([edge_index[0], loop])
    dst = jnp.concatenate([edge_index[1], loop])
    deg = jnp.zeros((n,), dtype=x.dtype).at[dst].add(1.0)
    deg_inv_sqrt = jnp.where(deg > 0, 1.0 / jnp.sqrt(deg), 0.0)
    norm = deg_inv_sqrt[src] * deg_inv_sqrt[dst]
    xw = x @ W
    msg = xw[src] * norm[:, None]
    out = jnp.zeros((n, W.shape[1]), dtype=x.dtype).at[dst].add(msg)
    return out + b

def reference(x, edge_index, W1, b1, W2, b2):
    h = _gcn_conv(x, edge_index, W1, b1)
    h = jax.nn.relu(h)
    # dropout is identity in eval mode (training=False)
    out = _gcn_conv(h, edge_index, W2, b2)
    return jax.nn.relu(out)

if __name__ == "__main__":
    import jax
    _d = setup_inputs()
    print(jax.jit(kernel)(*tuple(_d.values())))

</pallas_src>

<mosaic_0001>
#map = affine_map<(d0, d1) -> (0, 0, 0, 0)>
#map1 = affine_map<(d0, d1) -> (0, 0, 0)>
module attributes {stable_mosaic.version = 14 : i64} {
  func.func @_deg_body(%arg0: i32, %arg1: i32, %arg2: memref<2x16x80x128xi32, #tpu.memory_space<hbm>>, %arg3: memref<2x10112x128xf32, #tpu.memory_space<hbm>>, %arg4: memref<128x128xf32, #tpu.memory_space<vmem>>, %arg5: memref<80x128xi32, #tpu.memory_space<vmem>>, %arg6: memref<10112x128xf32, #tpu.memory_space<vmem_shared>>) attributes {dimension_semantics = [#tpu.dimension_semantics<core_parallel>, #tpu.dimension_semantics<subcore_parallel>], iteration_bounds = array<i64: 2, 16>, scalar_prefetch = 0 : i64, scratch_operands = 3 : i64, tpu.core_type = #tpu.core_type<sc_vector_subcore>, window_params = [{transform_indices = #map}, {transform_indices = #map1}]} {
    %mul3A = arith.constant 632 : i32
    %mul3A_0 = arith.muli %arg1, %mul3A : i32
    %scan3A = arith.constant 0 : i32
    %scan3A_1 = arith.constant 128 : i32
    %scan3A_2 = arith.addi %scan3A, %scan3A_1 : i32
    %scan3A_3 = arith.constant 1 : i32
    scf.for %scan3A_25 = %scan3A to %scan3A_2 step %scan3A_3  : i32 {
      %mul3A_26 = arith.constant 1 : i32
      %mul3A_27 = arith.muli %scan3A_25, %mul3A_26 : i32
      %add3A_28 = arith.constant 0 : i32
      %add3A_29 = arith.addi %add3A_28, %mul3A_27 : i32
      %scan3A_30 = arith.constant 0 : i32
      %scan3A_31 = arith.constant 8 : i32
      %scan3A_32 = arith.addi %scan3A_30, %scan3A_31 : i32
      %scan3A_33 = arith.constant 1 : i32
      scf.for %scan3A_35 = %scan3A_30 to %scan3A_32 step %scan3A_33  : i32 {
        %mul3A_36 = arith.constant 1 : i32
        %mul3A_37 = arith.muli %scan3A_35, %mul3A_36 : i32
        %add3A_38 = arith.constant 0 : i32
        %add3A_39 = arith.addi %add3A_38, %mul3A_37 : i32
        %broadcast_in_dim3A = arith.constant 0.000000e+00 : f32
        %broadcast_in_dim3A_40 = vector.broadcast %broadcast_in_dim3A : f32 to vector<16xf32>
        %mul3A_41 = arith.constant 16 : i32
        %mul3A_42 = arith.muli %add3A_39, %mul3A_41 : i32
        %swap3A = arith.index_cast %add3A_29 : i32 to index
        %swap3A_43 = arith.index_cast %mul3A_42 : i32 to index
        %swap3A_44 = tpu.vector_load %arg4[%swap3A, %swap3A_43] {strides = array<i32>} : memref<128x128xf32, #tpu.memory_space<vmem>>, vector<1x16xf32>,
        %swap3A_45 = vector.shape_cast %swap3A_44 : vector<1x16xf32> to vector<16xf32>
        %swap3A_46 = vector.shape_cast %broadcast_in_dim3A_40 : vector<16xf32> to vector<1x16xf32>
        tpu.vector_store %arg4[%swap3A, %swap3A_43], %swap3A_46 {strides = array<i32>} : memref<128x128xf32, #tpu.memory_space<vmem>>, vector<1x16xf32>,
      }
      %scan3A_34 = arith.constant 8 : i32
    }
    %scan3A_4 = arith.constant 128 : i32
    %add3A = arith.constant 0 : i32
    %add3A_5 = arith.addi %mul3A_0, %add3A : i32
    "tpu.region"() ({
      %run_scoped3A = tpu.sem_alloc : memref<!tpu.dma_semaphore, #tpu.memory_space<semaphore_mem>>
      %dma_start3A = arith.constant 0 : i32
      %dma_start3A_25 = tpu.memref_slice %arg6[%add3A_5, %dma_start3A] : memref<10112x128xf32, #tpu.memory_space<vmem_shared>> -> memref<128x128xf32, #tpu.memory_space<vmem_shared>>
      %dma_start3A_26 = arith.constant 0 : i32
      %dma_start3A_27 = tpu.memref_slice %arg6[%add3A_5, %dma_start3A_26] : memref<10112x128xf32, #tpu.memory_space<vmem_shared>> -> memref<128x128xf32, #tpu.memory_space<vmem_shared>>
      tpu.enqueue_dma source(%arg4 : memref<128x128xf32, #tpu.memory_space<vmem>>) target(%dma_start3A_27 : memref<128x128xf32, #tpu.memory_space<vmem_shared>>) target_semaphore(%run_scoped3A : memref<!tpu.dma_semaphore, #tpu.memory_space<semaphore_mem>>)
      %dma_wait3A = arith.constant 0 : i32
      %dma_wait3A_28 = tpu.memref_slice %arg6[%add3A_5, %dma_wait3A] : memref<10112x128xf32, #tpu.memory_space<vmem_shared>> -> memref<128x128xf32, #tpu.memory_space<vmem_shared>>
      %dma_wait3A_29 = arith.constant 0 : i32
      %dma_wait3A_30 = tpu.memref_slice %arg6[%add3A_5, %dma_wait3A_29] : memref<10112x128xf32, #tpu.memory_space<vmem_shared>> -> memref<128x128xf32, #tpu.memory_space<vmem_shared>>
      tpu.wait_dma2 semaphore(%run_scoped3A : memref<!tpu.dma_semaphore, #tpu.memory_space<semaphore_mem>>) src(%arg4 : memref<128x128xf32, #tpu.memory_space<vmem>>) dst(%dma_wait3A_30 : memref<128x128xf32, #tpu.memory_space<vmem_shared>>)
      tpu.yield
    }) : () -> ()
    %add3A_6 = arith.constant 128 : i32
    %add3A_7 = arith.addi %mul3A_0, %add3A_6 : i32
    "tpu.region"() ({
      %run_scoped3A = tpu.sem_alloc : memref<!tpu.dma_semaphore, #tpu.memory_space<semaphore_mem>>
      %dma_start3A = arith.constant 0 : i32
      %dma_start3A_25 = tpu.memref_slice %arg6[%add3A_7, %dma_start3A] : memref<10112x128xf32, #tpu.memory_space<vmem_shared>> -> memref<128x128xf32, #tpu.memory_space<vmem_shared>>
      %dma_start3A_26 = arith.constant 0 : i32
      %dma_start3A_27 = tpu.memref_slice %arg6[%add3A_7, %dma_start3A_26] : memref<10112x128xf32, #tpu.memory_space<vmem_shared>> -> memref<128x128xf32, #tpu.memory_space<vmem_shared>>
      tpu.enqueue_dma source(%arg4 : memref<128x128xf32, #tpu.memory_space<vmem>>) target(%dma_start3A_27 : memref<128x128xf32, #tpu.memory_space<vmem_shared>>) target_semaphore(%run_scoped3A : memref<!tpu.dma_semaphore, #tpu.memory_space<semaphore_mem>>)
      %dma_wait3A = arith.constant 0 : i32
      %dma_wait3A_28 = tpu.memref_slice %arg6[%add3A_7, %dma_wait3A] : memref<10112x128xf32, #tpu.memory_space<vmem_shared>> -> memref<128x128xf32, #tpu.memory_space<vmem_shared>>
      %dma_wait3A_29 = arith.constant 0 : i32
      %dma_wait3A_30 = tpu.memref_slice %arg6[%add3A_7, %dma_wait3A_29] : memref<10112x128xf32, #tpu.memory_space<vmem_shared>> -> memref<128x128xf32, #tpu.memory_space<vmem_shared>>
      tpu.wait_dma2 semaphore(%run_scoped3A : memref<!tpu.dma_semaphore, #tpu.memory_space<semaphore_mem>>) src(%arg4 : memref<128x128xf32, #tpu.memory_space<vmem>>) dst(%dma_wait3A_30 : memref<128x128xf32, #tpu.memory_space<vmem_shared>>)
      tpu.yield
    }) : () -> ()
    %add3A_8 = arith.constant 256 : i32
    %add3A_9 = arith.addi %mul3A_0, %add3A_8 : i32
    "tpu.region"() ({
      %run_scoped3A = tpu.sem_alloc : memref<!tpu.dma_semaphore, #tpu.memory_space<semaphore_mem>>
      %dma_start3A = arith.constant 0 : i32
      %dma_start3A_25 = tpu.memref_slice %arg6[%add3A_9, %dma_start3A] : memref<10112x128xf32, #tpu.memory_space<vmem_shared>> -> memref<128x128xf32, #tpu.memory_space<vmem_shared>>
      %dma_start3A_26 = arith.constant 0 : i32
      %dma_start3A_27 = tpu.memref_slice %arg6[%add3A_9, %dma_start3A_26] : memref<10112x128xf32, #tpu.memory_space<vmem_shared>> -> memref<128x128xf32, #tpu.memory_space<vmem_shared>>
      tpu.enqueue_dma source(%arg4 : memref<128x128xf32, #tpu.memory_space<vmem>>) target(%dma_start3A_27 : memref<128x128xf32, #tpu.memory_space<vmem_shared>>) target_semaphore(%run_scoped3A : memref<!tpu.dma_semaphore, #tpu.memory_space<semaphore_mem>>)
      %dma_wait3A = arith.constant 0 : i32
      %dma_wait3A_28 = tpu.memref_slice %arg6[%add3A_9, %dma_wait3A] : memref<10112x128xf32, #tpu.memory_space<vmem_shared>> -> memref<128x128xf32, #tpu.memory_space<vmem_shared>>
      %dma_wait3A_29 = arith.constant 0 : i32
      %dma_wait3A_30 = tpu.memref_slice %arg6[%add3A_9, %dma_wait3A_29] : memref<10112x128xf32, #tpu.memory_space<vmem_shared>> -> memref<128x128xf32, #tpu.memory_space<vmem_shared>>
      tpu.wait_dma2 semaphore(%run_scoped3A : memref<!tpu.dma_semaphore, #tpu.memory_space<semaphore_mem>>) src(%arg4 : memref<128x128xf32, #tpu.memory_space<vmem>>) dst(%dma_wait3A_30 : memref<128x128xf32, #tpu.memory_space<vmem_shared>>)
      tpu.yield
    }) : () -> ()
    %add3A_10 = arith.constant 384 : i32
    %add3A_11 = arith.addi %mul3A_0, %add3A_10 : i32
    "tpu.region"() ({
      %run_scoped3A = tpu.sem_alloc : memref<!tpu.dma_semaphore, #tpu.memory_space<semaphore_mem>>
      %dma_start3A = arith.constant 0 : i32
      %dma_start3A_25 = tpu.memref_slice %arg6[%add3A_11, %dma_start3A] : memref<10112x128xf32, #tpu.memory_space<vmem_shared>> -> memref<128x128xf32, #tpu.memory_space<vmem_shared>>
      %dma_start3A_26 = arith.constant 0 : i32
      %dma_start3A_27 = tpu.memref_slice %arg6[%add3A_11, %dma_start3A_26] : memref<10112x128xf32, #tpu.memory_space<vmem_shared>> -> memref<128x128xf32, #tpu.memory_space<vmem_shared>>
      tpu.enqueue_dma source(%arg4 : memref<128x128xf32, #tpu.memory_space<vmem>>) target(%dma_start3A_27 : memref<128x128xf32, #tpu.memory_space<vmem_shared>>) target_semaphore(%run_scoped3A : memref<!tpu.dma_semaphore, #tpu.memory_space<semaphore_mem>>)
      %dma_wait3A = arith.constant 0 : i32
      %dma_wait3A_28 = tpu.memref_slice %arg6[%add3A_11, %dma_wait3A] : memref<10112x128xf32, #tpu.memory_space<vmem_shared>> -> memref<128x128xf32, #tpu.memory_space<vmem_shared>>
      %dma_wait3A_29 = arith.constant 0 : i32
      %dma_wait3A_30 = tpu.memref_slice %arg6[%add3A_11, %dma_wait3A_29] : memref<10112x128xf32, #tpu.memory_space<vmem_shared>> -> memref<128x128xf32, #tpu.memory_space<vmem_shared>>
      tpu.wait_dma2 semaphore(%run_scoped3A : memref<!tpu.dma_semaphore, #tpu.memory_space<semaphore_mem>>) src(%arg4 : memref<128x128xf32, #tpu.memory_space<vmem>>) dst(%dma_wait3A_30 : memref<128x128xf32, #tpu.memory_space<vmem_shared>>)
      tpu.yield
    }) : () -> ()
    %add3A_12 = arith.constant 512 : i32
    %add3A_13 = arith.addi %mul3A_0, %add3A_12 : i32
    "tpu.region"() ({
      %run_scoped3A = tpu.sem_alloc : memref<!tpu.dma_semaphore, #tpu.memory_space<semaphore_mem>>
      %dma_start3A = arith.constant 0 : i32
      %dma_start3A_25 = arith.constant 0 : i32
      %dma_start3A_26 = tpu.memref_slice %arg4[%dma_start3A, %dma_start3A_25] : memref<128x128xf32, #tpu.memory_space<vmem>> -> memref<120x128xf32, #tpu.memory_space<vmem>>
      %dma_start3A_27 = arith.constant 0 : i32
      %dma_start3A_28 = tpu.memref_slice %arg6[%add3A_13, %dma_start3A_27] : memref<10112x128xf32, #tpu.memory_space<vmem_shared>> -> memref<120x128xf32, #tpu.memory_space<vmem_shared>>
      %dma_start3A_29 = arith.constant 0 : i32
      %dma_start3A_30 = tpu.memref_slice %arg6[%add3A_13, %dma_start3A_29] : memref<10112x128xf32, #tpu.memory_space<vmem_shared>> -> memref<120x128xf32, #tpu.memory_space<vmem_shared>>
      %dma_start3A_31 = arith.constant 0 : i32
      %dma_start3A_32 = arith.constant 0 : i32
      %dma_start3A_33 = tpu.memref_slice %arg4[%dma_start3A_31, %dma_start3A_32] : memref<128x128xf32, #tpu.memory_space<vmem>> -> memref<120x128xf32, #tpu.memory_space<vmem>>
      tpu.enqueue_dma source(%dma_start3A_33 : memref<120x128xf32, #tpu.memory_space<vmem>>) target(%dma_start3A_30 : memref<120x128xf32, #tpu.memory_space<vmem_shared>>) target_semaphore(%run_scoped3A : memref<!tpu.dma_semaphore, #tpu.memory_space<semaphore_mem>>)
      %dma_wait3A = arith.constant 0 : i32
      %dma_wait3A_34 = arith.constant 0 : i32
      %dma_wait3A_35 = tpu.memref_slice %arg4[%dma_wait3A, %dma_wait3A_34] : memref<128x128xf32, #tpu.memory_space<vmem>> -> memref<120x128xf32, #tpu.memory_space<vmem>>
      %dma_wait3A_36 = arith.constant 0 : i32
      %dma_wait3A_37 = tpu.memref_slice %arg6[%add3A_13, %dma_wait3A_36] : memref<10112x128xf32, #tpu.memory_space<vmem_shared>> -> memref<120x128xf32, #tpu.memory_space<vmem_shared>>
      %dma_wait3A_38 = arith.constant 0 : i32
      %dma_wait3A_39 = tpu.memref_slice %arg6[%add3A_13, %dma_wait3A_38] : memref<10112x128xf32, #tpu.memory_space<vmem_shared>> -> memref<120x128xf32, #tpu.memory_space<vmem_shared>>
      %dma_wait3A_40 = arith.constant 0 : i32
      %dma_wait3A_41 = arith.constant 0 : i32
      %dma_wait3A_42 = tpu.memref_slice %arg4[%dma_wait3A_40, %dma_wait3A_41] : memref<128x128xf32, #tpu.memory_space<vmem>> -> memref<120x128xf32, #tpu.memory_space<vmem>>
      tpu.wait_dma2 semaphore(%run_scoped3A : memref<!tpu.dma_semaphore, #tpu.memory_space<semaphore_mem>>) src(%dma_wait3A_42 : memref<120x128xf32, #tpu.memory_space<vmem>>) dst(%dma_wait3A_39 : memref<120x128xf32, #tpu.memory_space<vmem_shared>>)
      tpu.yield
    }) : () -> ()
    %scan3A_14 = arith.constant 0 : i32
    %scan3A_15 = arith.constant 128 : i32
    %scan3A_16 = arith.addi %scan3A_14, %scan3A_15 : i32
    %scan3A_17 = arith.constant 1 : i32
    scf.for %scan3A_25 = %scan3A_14 to %scan3A_16 step %scan3A_17  : i32 {
      %mul3A_26 = arith.constant 1 : i32
      %mul3A_27 = arith.muli %scan3A_25, %mul3A_26 : i32
      %add3A_28 = arith.constant 0 : i32
      %add3A_29 = arith.addi %add3A_28, %mul3A_27 : i32
      %scan3A_30 = arith.constant 0 : i32
      %scan3A_31 = arith.constant 8 : i32
      %scan3A_32 = arith.addi %scan3A_30, %scan3A_31 : i32
      %scan3A_33 = arith.constant 1 : i32
      scf.for %scan3A_35 = %scan3A_30 to %scan3A_32 step %scan3A_33  : i32 {
        %mul3A_36 = arith.constant 1 : i32
        %mul3A_37 = arith.muli %scan3A_35, %mul3A_36 : i32
        %add3A_38 = arith.constant 0 : i32
        %add3A_39 = arith.addi %add3A_38, %mul3A_37 : i32
        %broadcast_in_dim3A = arith.constant 1.000000e+00 : f32
        %broadcast_in_dim3A_40 = vector.broadcast %broadcast_in_dim3A : f32 to vector<16xf32>
        %mul3A_41 = arith.constant 16 : i32
        %mul3A_42 = arith.muli %add3A_39, %mul3A_41 : i32
        %swap3A = arith.index_cast %add3A_29 : i32 to index
        %swap3A_43 = arith.index_cast %mul3A_42 : i32 to index
        %swap3A_44 = tpu.vector_load %arg4[%swap3A, %swap3A_43] {strides = array<i32>} : memref<128x128xf32, #tpu.memory_space<vmem>>, vector<1x16xf32>,
        %swap3A_45 = vector.shape_cast %swap3A_44 : vector<1x16xf32> to vector<16xf32>
        %swap3A_46 = vector.shape_cast %broadcast_in_dim3A_40 : vector<16xf32> to vector<1x16xf32>
        tpu.vector_store %arg4[%swap3A, %swap3A_43], %swap3A_46 {strides = array<i32>} : memref<128x128xf32, #tpu.memory_space<vmem>>, vector<1x16xf32>,
      }
      %scan3A_34 = arith.constant 8 : i32
    }
    %scan3A_18 = arith.constant 128 : i32
    "tpu.region"() ({
      %run_scoped3A = tpu.sem_alloc : memref<!tpu.dma_semaphore, #tpu.memory_space<semaphore_mem>>
      %dma_start3A = arith.constant 0 : i32
      %dma_start3A_25 = arith.constant 0 : i32
      %dma_start3A_26 = tpu.memref_slice %arg2[%arg0, %arg1, %dma_start3A, %dma_start3A_25] : memref<2x16x80x128xi32, #tpu.memory_space<hbm>> -> memref<1x1x80x128xi32, #tpu.memory_space<hbm>>
      %dma_start3A_27 = tpu.memref_squeeze %dma_start3A_26 : memref<1x1x80x128xi32, #tpu.memory_space<hbm>> -> memref<80x128xi32, #tpu.memory_space<hbm>>
      %dma_start3A_28 = arith.constant 0 : i32
      %dma_start3A_29 = arith.constant 0 : i32
      %dma_start3A_30 = tpu.memref_slice %arg2[%arg0, %arg1, %dma_start3A_28, %dma_start3A_29] : memref<2x16x80x128xi32, #tpu.memory_space<hbm>> -> memref<1x1x80x128xi32, #tpu.memory_space<hbm>>
      %dma_start3A_31 = tpu.memref_squeeze %dma_start3A_30 : memref<1x1x80x128xi32, #tpu.memory_space<hbm>> -> memref<80x128xi32, #tpu.memory_space<hbm>>
      tpu.enqueue_dma source(%dma_start3A_31 : memref<80x128xi32, #tpu.memory_space<hbm>>) target(%arg5 : memref<80x128xi32, #tpu.memory_space<vmem>>) target_semaphore(%run_scoped3A : memref<!tpu.dma_semaphore, #tpu.memory_space<semaphore_mem>>)
      %dma_wait3A = arith.constant 0 : i32
      %dma_wait3A_32 = arith.constant 0 : i32
      %dma_wait3A_33 = tpu.memref_slice %arg2[%arg0, %arg1, %dma_wait3A, %dma_wait3A_32] : memref<2x16x80x128xi32, #tpu.memory_space<hbm>> -> memref<1x1x80x128xi32, #tpu.memory_space<hbm>>
      %dma_wait3A_34 = tpu.memref_squeeze %dma_wait3A_33 : memref<1x1x80x128xi32, #tpu.memory_space<hbm>> -> memref<80x128xi32, #tpu.memory_space<hbm>>
      %dma_wait3A_35 = arith.constant 0 : i32
      %dma_wait3A_36 = arith.constant 0 : i32
      %dma_wait3A_37 = tpu.memref_slice %arg2[%arg0, %arg1, %dma_wait3A_35, %dma_wait3A_36] : memref<2x16x80x128xi32, #tpu.memory_space<hbm>> -> memref<1x1x80x128xi32, #tpu.memory_space<hbm>>
      %dma_wait3A_38 = tpu.memref_squeeze %dma_wait3A_37 : memref<1x1x80x128xi32, #tpu.memory_space<hbm>> -> memref<80x128xi32, #tpu.memory_space<hbm>>
      tpu.wait_dma2 semaphore(%run_scoped3A : memref<!tpu.dma_semaphore, #tpu.memory_space<semaphore_mem>>) src(%dma_wait3A_38 : memref<80x128xi32, #tpu.memory_space<hbm>>) dst(%arg5 : memref<80x128xi32, #tpu.memory_space<vmem>>)
      tpu.yield
    }) : () -> ()
    %barrier3A = arith.constant 0 : index
    tpu.barrier barrier_id(%barrier3A)
    %scan3A_19 = arith.constant 0 : i32
    %scan3A_20 = arith.constant 80 : i32
    %scan3A_21 = arith.addi %scan3A_19, %scan3A_20 : i32
    %scan3A_22 = arith.constant 1 : i32
    scf.for %scan3A_25 = %scan3A_19 to %scan3A_21 step %scan3A_22  : i32 {
      %mul3A_26 = arith.constant 1 : i32
      %mul3A_27 = arith.muli %scan3A_25, %mul3A_26 : i32
      %add3A_28 = arith.constant 0 : i32
      %add3A_29 = arith.addi %add3A_28, %mul3A_27 : i32
      "tpu.region"() ({
        %run_scoped3A = tpu.sem_alloc : memref<!tpu.dma_semaphore, #tpu.memory_space<semaphore_mem>>
        %dma_start3A = arith.constant 0 : i32
        %dma_start3A_30 = tpu.memref_slice %arg5[%add3A_29, %dma_start3A] : memref<80x128xi32, #tpu.memory_space<vmem>> -> memref<1x128xi32, #tpu.memory_space<vmem>>
        %dma_start3A_31 = tpu.memref_squeeze %dma_start3A_30 : memref<1x128xi32, #tpu.memory_space<vmem>> -> memref<128xi32, #tpu.memory_space<vmem>>
        %dma_start3A_32 = arith.constant 0 : i32
        %dma_start3A_33 = arith.constant 0 : i32
        %dma_start3A_34 = tpu.memref_slice %arg6[%dma_start3A_32, %dma_start3A_33] : memref<10112x128xf32, #tpu.memory_space<vmem_shared>> -> memref<10112x128xf32, #tpu.memory_space<vmem_shared>>
        tpu.enqueue_indirect_dma source(%arg4 : memref<128x128xf32, #tpu.memory_space<vmem>>) target(%dma_start3A_34 : memref<10112x128xf32, #tpu.memory_space<vmem_shared>>) offsets(%dma_start3A_31 : memref<128xi32, #tpu.memory_space<vmem>>) semaphore(%run_scoped3A : memref<!tpu.dma_semaphore, #tpu.memory_space<semaphore_mem>>) {add = true}
        %dma_wait3A = arith.constant 0 : i32
        %dma_wait3A_35 = tpu.memref_slice %arg5[%add3A_29, %dma_wait3A] : memref<80x128xi32, #tpu.memory_space<vmem>> -> memref<1x128xi32, #tpu.memory_space<vmem>>
        %dma_wait3A_36 = tpu.memref_squeeze %dma_wait3A_35 : memref<1x128xi32, #tpu.memory_space<vmem>> -> memref<128xi32, #tpu.memory_space<vmem>>
        %dma_wait3A_37 = arith.constant 0 : i32
        %dma_wait3A_38 = arith.constant 0 : i32
        %dma_wait3A_39 = tpu.memref_slice %arg6[%dma_wait3A_37, %dma_wait3A_38] : memref<10112x128xf32, #tpu.memory_space<vmem_shared>> -> memref<10112x128xf32, #tpu.memory_space<vmem_shared>>
        tpu.wait_indirect_dma semaphore(%run_scoped3A : memref<!tpu.dma_semaphore, #tpu.memory_space<semaphore_mem>>) src(%arg4 : memref<128x128xf32, #tpu.memory_space<vmem>>) dst(%dma_wait3A_39 : memref<10112x128xf32, #tpu.memory_space<vmem_shared>>)
        tpu.yield
      }) : () -> ()
    }
    %scan3A_23 = arith.constant 80 : i32
    %barrier3A_24 = arith.constant 0 : index
    tpu.barrier barrier_id(%barrier3A_24)
    "tpu.region"() ({
      %run_scoped3A = tpu.sem_alloc : memref<!tpu.dma_semaphore, #tpu.memory_space<semaphore_mem>>
      %dma_start3A = arith.constant 0 : i32
      %dma_start3A_25 = tpu.memref_slice %arg3[%arg0, %mul3A_0, %dma_start3A] : memref<2x10112x128xf32, #tpu.memory_space<hbm>> -> memref<1x632x128xf32, #tpu.memory_space<hbm>>
      %dma_start3A_26 = tpu.memref_squeeze %dma_start3A_25 : memref<1x632x128xf32, #tpu.memory_space<hbm>> -> memref<632x128xf32, #tpu.memory_space<hbm>>
      %dma_start3A_27 = arith.constant 0 : i32
      %dma_start3A_28 = tpu.memref_slice %arg6[%mul3A_0, %dma_start3A_27] : memref<10112x128xf32, #tpu.memory_space<vmem_shared>> -> memref<632x128xf32, #tpu.memory_space<vmem_shared>>
      tpu.enqueue_dma source(%dma_start3A_28 : memref<632x128xf32, #tpu.memory_space<vmem_shared>>) target(%dma_start3A_26 : memref<632x128xf32, #tpu.memory_space<hbm>>) target_semaphore(%run_scoped3A : memref<!tpu.dma_semaphore, #tpu.memory_space<semaphore_mem>>)
      %dma_wait3A = arith.constant 0 : i32
      %dma_wait3A_29 = tpu.memref_slice %arg3[%arg0, %mul3A_0, %dma_wait3A] : memref<2x10112x128xf32, #tpu.memory_space<hbm>> -> memref<1x632x128xf32, #tpu.memory_space<hbm>>
      %dma_wait3A_30 = tpu.memref_squeeze %dma_wait3A_29 : memref<1x632x128xf32, #tpu.memory_space<hbm>> -> memref<632x128xf32, #tpu.memory_space<hbm>>
      %dma_wait3A_31 = arith.constant 0 : i32
      %dma_wait3A_32 = tpu.memref_slice %arg6[%mul3A_0, %dma_wait3A_31] : memref<10112x128xf32, #tpu.memory_space<vmem_shared>> -> memref<632x128xf32, #tpu.memory_space<vmem_shared>>
      tpu.wait_dma2 semaphore(%run_scoped3A : memref<!tpu.dma_semaphore, #tpu.memory_space<semaphore_mem>>) src(%dma_wait3A_32 : memref<632x128xf32, #tpu.memory_space<vmem_shared>>) dst(%dma_wait3A_30 : memref<632x128xf32, #tpu.memory_space<hbm>>)
      tpu.yield
    }) : () -> ()
    return
  }
}

#map = affine_map<(d0, d1) -> (0, 0)>
#map1 = affine_map<(d0, d1) -> (0, 0, 0, 0)>
#map2 = affine_map<(d0, d1) -> (0, 0, 0)>
module attributes {stable_mosaic.version = 14 : i64} {
  func.func @_segsum2_body(%arg0: i32, %arg1: i32, %arg2: memref<10000x128xf32, #tpu.memory_space<hbm>>, %arg3: memref<2x16x80x128xi32, #tpu.memory_space<hbm>>, %arg4: memref<2x16x80x128xi32, #tpu.memory_space<hbm>>, %arg5: memref<2x10112x128xf32, #tpu.memory_space<hbm>>, %arg6: memref<40x128xi32, #tpu.memory_space<vmem>>, %arg7: memref<40x128xi32, #tpu.memory_space<vmem>>, %arg8: memref<128x128xf32, #tpu.memory_space<vmem>>, %arg9: memref<128x128xf32, #tpu.memory_space<vmem>>, %arg10: memref<10112x128xf32, #tpu.memory_space<vmem_shared>>, %arg11: memref<!tpu.dma_semaphore, #tpu.memory_space<semaphore_mem>>, %arg12: memref<!tpu.dma_semaphore, #tpu.memory_space<semaphore_mem>>, %arg13: memref<!tpu.dma_semaphore, #tpu.memory_space<semaphore_mem>>, %arg14: memref<!tpu.dma_semaphore, #tpu.memory_space<semaphore_mem>>) attributes {dimension_semantics = [#tpu.dimension_semantics<core_parallel>, #tpu.dimension_semantics<subcore_parallel>], iteration_bounds = array<i64: 2, 16>, scalar_prefetch = 0 : i64, scratch_operands = 9 : i64, tpu.core_type = #tpu.core_type<sc_vector_subcore>, window_params = [{transform_indices = #map}, {transform_indices = #map1}, {transform_indices = #map1}, {transform_indices = #map2}]} {
    %mul3A = arith.constant 632 : i32
    %mul3A_0 = arith.muli %arg1, %mul3A : i32
    %scan3A = arith.constant 0 : i32
    %scan3A_1 = arith.constant 128 : i32
    %scan3A_2 = arith.addi %scan3A, %scan3A_1 : i32
    %scan3A_3 = arith.constant 1 : i32
    scf.for %scan3A_20 = %scan3A to %scan3A_2 step %scan3A_3  : i32 {
      %mul3A_21 = arith.constant 1 : i32
      %mul3A_22 = arith.muli %scan3A_20, %mul3A_21 : i32
      %add3A_23 = arith.constant 0 : i32
      %add3A_24 = arith.addi %add3A_23, %mul3A_22 : i32
      %scan3A_25 = arith.constant 0 : i32
      %scan3A_26 = arith.constant 8 : i32
      %scan3A_27 = arith.addi %scan3A_25, %scan3A_26 : i32
      %scan3A_28 = arith.constant 1 : i32
      scf.for %scan3A_30 = %scan3A_25 to %scan3A_27 step %scan3A_28  : i32 {
        %mul3A_31 = arith.constant 1 : i32
        %mul3A_32 = arith.muli %scan3A_30, %mul3A_31 : i32
        %add3A_33 = arith.constant 0 : i32
        %add3A_34 = arith.addi %add3A_33, %mul3A_32 : i32
        %broadcast_in_dim3A = arith.constant 0.000000e+00 : f32
        %broadcast_in_dim3A_35 = vector.broadcast %broadcast_in_dim3A : f32 to vector<16xf32>
        %mul3A_36 = arith.constant 16 : i32
        %mul3A_37 = arith.muli %add3A_34, %mul3A_36 : i32
        %swap3A = arith.index_cast %add3A_24 : i32 to index
        %swap3A_38 = arith.index_cast %mul3A_37 : i32 to index
        %swap3A_39 = tpu.vector_load %arg8[%swap3A, %swap3A_38] {strides = array<i32>} : memref<128x128xf32, #tpu.memory_space<vmem>>, vector<1x16xf32>,
        %swap3A_40 = vector.shape_cast %swap3A_39 : vector<1x16xf32> to vector<16xf32>
        %swap3A_41 = vector.shape_cast %broadcast_in_dim3A_35 : vector<16xf32> to vector<1x16xf32>
        tpu.vector_store %arg8[%swap3A, %swap3A_38], %swap3A_41 {strides = array<i32>} : memref<128x128xf32, #tpu.memory_space<vmem>>, vector<1x16xf32>,
      }
      %scan3A_29 = arith.constant 8 : i32
    }
    %scan3A_4 = arith.constant 128 : i32
    %add3A = arith.constant 0 : i32
    %add3A_5 = arith.addi %mul3A_0, %add3A : i32
    "tpu.region"() ({
      %run_scoped3A = tpu.sem_alloc : memref<!tpu.dma_semaphore, #tpu.memory_space<semaphore_mem>>
      %dma_start3A = arith.constant 0 : i32
      %dma_start3A_20 = tpu.memref_slice %arg10[%add3A_5, %dma_start3A] : memref<10112x128xf32, #tpu.memory_space<vmem_shared>> -> memref<128x128xf32, #tpu.memory_space<vmem_shared>>
      %dma_start3A_21 = arith.constant 0 : i32
      %dma_start3A_22 = tpu.memref_slice %arg10[%add3A_5, %dma_start3A_21] : memref<10112x128xf32, #tpu.memory_space<vmem_shared>> -> memref<128x128xf32, #tpu.memory_space<vmem_shared>>
      tpu.enqueue_dma source(%arg8 : memref<128x128xf32, #tpu.memory_space<vmem>>) target(%dma_start3A_22 : memref<128x128xf32, #tpu.memory_space<vmem_shared>>) target_semaphore(%run_scoped3A : memref<!tpu.dma_semaphore, #tpu.memory_space<semaphore_mem>>)
      %dma_wait3A = arith.constant 0 : i32
      %dma_wait3A_23 = tpu.memref_slice %arg10[%add3A_5, %dma_wait3A] : memref<10112x128xf32, #tpu.memory_space<vmem_shared>> -> memref<128x128xf32, #tpu.memory_space<vmem_shared>>
      %dma_wait3A_24 = arith.constant 0 : i32
      %dma_wait3A_25 = tpu.memref_slice %arg10[%add3A_5, %dma_wait3A_24] : memref<10112x128xf32, #tpu.memory_space<vmem_shared>> -> memref<128x128xf32, #tpu.memory_space<vmem_shared>>
      tpu.wait_dma2 semaphore(%run_scoped3A : memref<!tpu.dma_semaphore, #tpu.memory_space<semaphore_mem>>) src(%arg8 : memref<128x128xf32, #tpu.memory_space<vmem>>) dst(%dma_wait3A_25 : memref<128x128xf32, #tpu.memory_space<vmem_shared>>)
      tpu.yield
    }) : () -> ()
    %add3A_6 = arith.constant 128 : i32
    %add3A_7 = arith.addi %mul3A_0, %add3A_6 : i32
    "tpu.region"() ({
      %run_scoped3A = tpu.sem_alloc : memref<!tpu.dma_semaphore, #tpu.memory_space<semaphore_mem>>
      %dma_start3A = arith.constant 0 : i32
      %dma_start3A_20 = tpu.memref_slice %arg10[%add3A_7, %dma_start3A] : memref<10112x128xf32, #tpu.memory_space<vmem_shared>> -> memref<128x128xf32, #tpu.memory_space<vmem_shared>>
      %dma_start3A_21 = arith.constant 0 : i32
      %dma_start3A_22 = tpu.memref_slice %arg10[%add3A_7, %dma_start3A_21] : memref<10112x128xf32, #tpu.memory_space<vmem_shared>> -> memref<128x128xf32, #tpu.memory_space<vmem_shared>>
      tpu.enqueue_dma source(%arg8 : memref<128x128xf32, #tpu.memory_space<vmem>>) target(%dma_start3A_22 : memref<128x128xf32, #tpu.memory_space<vmem_shared>>) target_semaphore(%run_scoped3A : memref<!tpu.dma_semaphore, #tpu.memory_space<semaphore_mem>>)
      %dma_wait3A = arith.constant 0 : i32
      %dma_wait3A_23 = tpu.memref_slice %arg10[%add3A_7, %dma_wait3A] : memref<10112x128xf32, #tpu.memory_space<vmem_shared>> -> memref<128x128xf32, #tpu.memory_space<vmem_shared>>
      %dma_wait3A_24 = arith.constant 0 : i32
      %dma_wait3A_25 = tpu.memref_slice %arg10[%add3A_7, %dma_wait3A_24] : memref<10112x128xf32, #tpu.memory_space<vmem_shared>> -> memref<128x128xf32, #tpu.memory_space<vmem_shared>>
      tpu.wait_dma2 semaphore(%run_scoped3A : memref<!tpu.dma_semaphore, #tpu.memory_space<semaphore_mem>>) src(%arg8 : memref<128x128xf32, #tpu.memory_space<vmem>>) dst(%dma_wait3A_25 : memref<128x128xf32, #tpu.memory_space<vmem_shared>>)
      tpu.yield
    }) : () -> ()
    %add3A_8 = arith.constant 256 : i32
    %add3A_9 = arith.addi %mul3A_0, %add3A_8 : i32
    "tpu.region"() ({
      %run_scoped3A = tpu.sem_alloc : memref<!tpu.dma_semaphore, #tpu.memory_space<semaphore_mem>>
      %dma_start3A = arith.constant 0 : i32
      %dma_start3A_20 = tpu.memref_slice %arg10[%add3A_9, %dma_start3A] : memref<10112x128xf32, #tpu.memory_space<vmem_shared>> -> memref<128x128xf32, #tpu.memory_space<vmem_shared>>
      %dma_start3A_21 = arith.constant 0 : i32
      %dma_start3A_22 = tpu.memref_slice %arg10[%add3A_9, %dma_start3A_21] : memref<10112x128xf32, #tpu.memory_space<vmem_shared>> -> memref<128x128xf32, #tpu.memory_space<vmem_shared>>
      tpu.enqueue_dma source(%arg8 : memref<128x128xf32, #tpu.memory_space<vmem>>) target(%dma_start3A_22 : memref<128x128xf32, #tpu.memory_space<vmem_shared>>) target_semaphore(%run_scoped3A : memref<!tpu.dma_semaphore, #tpu.memory_space<semaphore_mem>>)
      %dma_wait3A = arith.constant 0 : i32
      %dma_wait3A_23 = tpu.memref_slice %arg10[%add3A_9, %dma_wait3A] : memref<10112x128xf32, #tpu.memory_space<vmem_shared>> -> memref<128x128xf32, #tpu.memory_space<vmem_shared>>
      %dma_wait3A_24 = arith.constant 0 : i32
      %dma_wait3A_25 = tpu.memref_slice %arg10[%add3A_9, %dma_wait3A_24] : memref<10112x128xf32, #tpu.memory_space<vmem_shared>> -> memref<128x128xf32, #tpu.memory_space<vmem_shared>>
      tpu.wait_dma2 semaphore(%run_scoped3A : memref<!tpu.dma_semaphore, #tpu.memory_space<semaphore_mem>>) src(%arg8 : memref<128x128xf32, #tpu.memory_space<vmem>>) dst(%dma_wait3A_25 : memref<128x128xf32, #tpu.memory_space<vmem_shared>>)
      tpu.yield
    }) : () -> ()
    %add3A_10 = arith.constant 384 : i32
    %add3A_11 = arith.addi %mul3A_0, %add3A_10 : i32
    "tpu.region"() ({
      %run_scoped3A = tpu.sem_alloc : memref<!tpu.dma_semaphore, #tpu.memory_space<semaphore_mem>>
      %dma_start3A = arith.constant 0 : i32
      %dma_start3A_20 = tpu.memref_slice %arg10[%add3A_11, %dma_start3A] : memref<10112x128xf32, #tpu.memory_space<vmem_shared>> -> memref<128x128xf32, #tpu.memory_space<vmem_shared>>
      %dma_start3A_21 = arith.constant 0 : i32
      %dma_start3A_22 = tpu.memref_slice %arg10[%add3A_11, %dma_start3A_21] : memref<10112x128xf32, #tpu.memory_space<vmem_shared>> -> memref<128x128xf32, #tpu.memory_space<vmem_shared>>
      tpu.enqueue_dma source(%arg8 : memref<128x128xf32, #tpu.memory_space<vmem>>) target(%dma_start3A_22 : memref<128x128xf32, #tpu.memory_space<vmem_shared>>) target_semaphore(%run_scoped3A : memref<!tpu.dma_semaphore, #tpu.memory_space<semaphore_mem>>)
      %dma_wait3A = arith.constant 0 : i32
      %dma_wait3A_23 = tpu.memref_slice %arg10[%add3A_11, %dma_wait3A] : memref<10112x128xf32, #tpu.memory_space<vmem_shared>> -> memref<128x128xf32, #tpu.memory_space<vmem_shared>>
      %dma_wait3A_24 = arith.constant 0 : i32
      %dma_wait3A_25 = tpu.memref_slice %arg10[%add3A_11, %dma_wait3A_24] : memref<10112x128xf32, #tpu.memory_space<vmem_shared>> -> memref<128x128xf32, #tpu.memory_space<vmem_shared>>
      tpu.wait_dma2 semaphore(%run_scoped3A : memref<!tpu.dma_semaphore, #tpu.memory_space<semaphore_mem>>) src(%arg8 : memref<128x128xf32, #tpu.memory_space<vmem>>) dst(%dma_wait3A_25 : memref<128x128xf32, #tpu.memory_space<vmem_shared>>)
      tpu.yield
    }) : () -> ()
    %add3A_12 = arith.constant 512 : i32
    %add3A_13 = arith.addi %mul3A_0, %add3A_12 : i32
    "tpu.region"() ({
      %run_scoped3A = tpu.sem_alloc : memref<!tpu.dma_semaphore, #tpu.memory_space<semaphore_mem>>
      %dma_start3A = arith.constant 0 : i32
      %dma_start3A_20 = arith.constant 0 : i32
      %dma_start3A_21 = tpu.memref_slice %arg8[%dma_start3A, %dma_start3A_20] : memref<128x128xf32, #tpu.memory_space<vmem>> -> memref<120x128xf32, #tpu.memory_space<vmem>>
      %dma_start3A_22 = arith.constant 0 : i32
      %dma_start3A_23 = tpu.memref_slice %arg10[%add3A_13, %dma_start3A_22] : memref<10112x128xf32, #tpu.memory_space<vmem_shared>> -> memref<120x128xf32, #tpu.memory_space<vmem_shared>>
      %dma_start3A_24 = arith.constant 0 : i32
      %dma_start3A_25 = tpu.memref_slice %arg10[%add3A_13, %dma_start3A_24] : memref<10112x128xf32, #tpu.memory_space<vmem_shared>> -> memref<120x128xf32, #tpu.memory_space<vmem_shared>>
      %dma_start3A_26 = arith.constant 0 : i32
      %dma_start3A_27 = arith.constant 0 : i32
      %dma_start3A_28 = tpu.memref_slice %arg8[%dma_start3A_26, %dma_start3A_27] : memref<128x128xf32, #tpu.memory_space<vmem>> -> memref<120x128xf32, #tpu.memory_space<vmem>>
      tpu.enqueue_dma source(%dma_start3A_28 : memref<120x128xf32, #tpu.memory_space<vmem>>) target(%dma_start3A_25 : memref<120x128xf32, #tpu.memory_space<vmem_shared>>) target_semaphore(%run_scoped3A : memref<!tpu.dma_semaphore, #tpu.memory_space<semaphore_mem>>)
      %dma_wait3A = arith.constant 0 : i32
      %dma_wait3A_29 = arith.constant 0 : i32
      %dma_wait3A_30 = tpu.memref_slice %arg8[%dma_wait3A, %dma_wait3A_29] : memref<128x128xf32, #tpu.memory_space<vmem>> -> memref<120x128xf32, #tpu.memory_space<vmem>>
      %dma_wait3A_31 = arith.constant 0 : i32
      %dma_wait3A_32 = tpu.memref_slice %arg10[%add3A_13, %dma_wait3A_31] : memref<10112x128xf32, #tpu.memory_space<vmem_shared>> -> memref<120x128xf32, #tpu.memory_space<vmem_shared>>
      %dma_wait3A_33 = arith.constant 0 : i32
      %dma_wait3A_34 = tpu.memref_slice %arg10[%add3A_13, %dma_wait3A_33] : memref<10112x128xf32, #tpu.memory_space<vmem_shared>> -> memref<120x128xf32, #tpu.memory_space<vmem_shared>>
      %dma_wait3A_35 = arith.constant 0 : i32
      %dma_wait3A_36 = arith.constant 0 : i32
      %dma_wait3A_37 = tpu.memref_slice %arg8[%dma_wait3A_35, %dma_wait3A_36] : memref<128x128xf32, #tpu.memory_space<vmem>> -> memref<120x128xf32, #tpu.memory_space<vmem>>
      tpu.wait_dma2 semaphore(%run_scoped3A : memref<!tpu.dma_semaphore, #tpu.memory_space<semaphore_mem>>) src(%dma_wait3A_37 : memref<120x128xf32, #tpu.memory_space<vmem>>) dst(%dma_wait3A_34 : memref<120x128xf32, #tpu.memory_space<vmem_shared>>)
      tpu.yield
    }) : () -> ()
    %barrier3A = arith.constant 0 : index
    tpu.barrier barrier_id(%barrier3A)
    %scan3A_14 = arith.constant 0 : i32
    %scan3A_15 = arith.constant 2 : i32
    %scan3A_16 = arith.addi %scan3A_14, %scan3A_15 : i32
    %scan3A_17 = arith.constant 1 : i32
    scf.for %scan3A_20 = %scan3A_14 to %scan3A_16 step %scan3A_17  : i32 {
      %mul3A_21 = arith.constant 1 : i32
      %mul3A_22 = arith.muli %scan3A_20, %mul3A_21 : i32
      %add3A_23 = arith.constant 0 : i32
      %add3A_24 = arith.addi %add3A_23, %mul3A_22 : i32
      %mul3A_25 = arith.constant 40 : i32
      %mul3A_26 = arith.muli %add3A_24, %mul3A_25 : i32
      "tpu.region"() ({
        %run_scoped3A = tpu.sem_alloc : memref<!tpu.dma_semaphore, #tpu.memory_space<semaphore_mem>>
        %dma_start3A_46 = arith.constant 0 : i32
        %dma_start3A_47 = tpu.memref_slice %arg3[%arg0, %arg1, %mul3A_26, %dma_start3A_46] : memref<2x16x80x128xi32, #tpu.memory_space<hbm>> -> memref<1x1x40x128xi32, #tpu.memory_space<hbm>>
        %dma_start3A_48 = tpu.memref_squeeze %dma_start3A_47 : memref<1x1x40x128xi32, #tpu.memory_space<hbm>> -> memref<40x128xi32, #tpu.memory_space<hbm>>
        %dma_start3A_49 = arith.constant 0 : i32
        %dma_start3A_50 = tpu.memref_slice %arg3[%arg0, %arg1, %mul3A_26, %dma_start3A_49] : memref<2x16x80x128xi32, #tpu.memory_space<hbm>> -> memref<1x1x40x128xi32, #tpu.memory_space<hbm>>
        %dma_start3A_51 = tpu.memref_squeeze %dma_start3A_50 : memref<1x1x40x128xi32, #tpu.memory_space<hbm>> -> memref<40x128xi32, #tpu.memory_space<hbm>>
        tpu.enqueue_dma source(%dma_start3A_51 : memref<40x128xi32, #tpu.memory_space<hbm>>) target(%arg6 : memref<40x128xi32, #tpu.memory_space<vmem>>) target_semaphore(%run_scoped3A : memref<!tpu.dma_semaphore, #tpu.memory_space<semaphore_mem>>)
        %dma_wait3A_52 = arith.constant 0 : i32
        %dma_wait3A_53 = tpu.memref_slice %arg3[%arg0, %arg1, %mul3A_26, %dma_wait3A_52] : memref<2x16x80x128xi32, #tpu.memory_space<hbm>> -> memref<1x1x40x128xi32, #tpu.memory_space<hbm>>
        %dma_wait3A_54 = tpu.memref_squeeze %dma_wait3A_53 : memref<1x1x40x128xi32, #tpu.memory_space<hbm>> -> memref<40x128xi32, #tpu.memory_space<hbm>>
        %dma_wait3A_55 = arith.constant 0 : i32
        %dma_wait3A_56 = tpu.memref_slice %arg3[%arg0, %arg1, %mul3A_26, %dma_wait3A_55] : memref<2x16x80x128xi32, #tpu.memory_space<hbm>> -> memref<1x1x40x128xi32, #tpu.memory_space<hbm>>
        %dma_wait3A_57 = tpu.memref_squeeze %dma_wait3A_56 : memref<1x1x40x128xi32, #tpu.memory_space<hbm>> -> memref<40x128xi32, #tpu.memory_space<hbm>>
        tpu.wait_dma2 semaphore(%run_scoped3A : memref<!tpu.dma_semaphore, #tpu.memory_space<semaphore_mem>>) src(%dma_wait3A_57 : memref<40x128xi32, #tpu.memory_space<hbm>>) dst(%arg6 : memref<40x128xi32, #tpu.memory_space<vmem>>)
        tpu.yield
      }) : () -> ()
      %mul3A_27 = arith.constant 40 : i32
      %mul3A_28 = arith.muli %add3A_24, %mul3A_27 : i32
      "tpu.region"() ({
        %run_scoped3A = tpu.sem_alloc : memref<!tpu.dma_semaphore, #tpu.memory_space<semaphore_mem>>
        %dma_start3A_46 = arith.constant 0 : i32
        %dma_start3A_47 = tpu.memref_slice %arg4[%arg0, %arg1, %mul3A_28, %dma_start3A_46] : memref<2x16x80x128xi32, #tpu.memory_space<hbm>> -> memref<1x1x40x128xi32, #tpu.memory_space<hbm>>
        %dma_start3A_48 = tpu.memref_squeeze %dma_start3A_47 : memref<1x1x40x128xi32, #tpu.memory_space<hbm>> -> memref<40x128xi32, #tpu.memory_space<hbm>>
        %dma_start3A_49 = arith.constant 0 : i32
        %dma_start3A_50 = tpu.memref_slice %arg4[%arg0, %arg1, %mul3A_28, %dma_start3A_49] : memref<2x16x80x128xi32, #tpu.memory_space<hbm>> -> memref<1x1x40x128xi32, #tpu.memory_space<hbm>>
        %dma_start3A_51 = tpu.memref_squeeze %dma_start3A_50 : memref<1x1x40x128xi32, #tpu.memory_space<hbm>> -> memref<40x128xi32, #tpu.memory_space<hbm>>
        tpu.enqueue_dma source(%dma_start3A_51 : memref<40x128xi32, #tpu.memory_space<hbm>>) target(%arg7 : memref<40x128xi32, #tpu.memory_space<vmem>>) target_semaphore(%run_scoped3A : memref<!tpu.dma_semaphore, #tpu.memory_space<semaphore_mem>>)
        %dma_wait3A_52 = arith.constant 0 : i32
        %dma_wait3A_53 = tpu.memref_slice %arg4[%arg0, %arg1, %mul3A_28, %dma_wait3A_52] : memref<2x16x80x128xi32, #tpu.memory_space<hbm>> -> memref<1x1x40x128xi32, #tpu.memory_space<hbm>>
        %dma_wait3A_54 = tpu.memref_squeeze %dma_wait3A_53 : memref<1x1x40x128xi32, #tpu.memory_space<hbm>> -> memref<40x128xi32, #tpu.memory_space<hbm>>
        %dma_wait3A_55 = arith.constant 0 : i32
        %dma_wait3A_56 = tpu.memref_slice %arg4[%arg0, %arg1, %mul3A_28, %dma_wait3A_55] : memref<2x16x80x128xi32, #tpu.memory_space<hbm>> -> memref<1x1x40x128xi32, #tpu.memory_space<hbm>>
        %dma_wait3A_57 = tpu.memref_squeeze %dma_wait3A_56 : memref<1x1x40x128xi32, #tpu.memory_space<hbm>> -> memref<40x128xi32, #tpu.memory_space<hbm>>
        tpu.wait_dma2 semaphore(%run_scoped3A : memref<!tpu.dma_semaphore, #tpu.memory_space<semaphore_mem>>) src(%dma_wait3A_57 : memref<40x128xi32, #tpu.memory_space<hbm>>) dst(%arg7 : memref<40x128xi32, #tpu.memory_space<vmem>>)
        tpu.yield
      }) : () -> ()
      %dma_start3A = arith.constant 0 : i32
      %dma_start3A_29 = arith.constant 0 : i32
      %dma_start3A_30 = tpu.memref_slice %arg6[%dma_start3A, %dma_start3A_29] : memref<40x128xi32, #tpu.memory_space<vmem>> -> memref<1x128xi32, #tpu.memory_space<vmem>>
      %dma_start3A_31 = tpu.memref_squeeze %dma_start3A_30 : memref<1x128xi32, #tpu.memory_space<vmem>> -> memref<128xi32, #tpu.memory_space<vmem>>
      %dma_start3A_32 = arith.constant 0 : i32
      %dma_start3A_33 = arith.constant 0 : i32
      %dma_start3A_34 = tpu.memref_slice %arg2[%dma_start3A_32, %dma_start3A_33] : memref<10000x128xf32, #tpu.memory_space<hbm>> -> memref<10000x128xf32, #tpu.memory_space<hbm>>
      tpu.enqueue_indirect_dma source(%dma_start3A_34 : memref<10000x128xf32, #tpu.memory_space<hbm>>) target(%arg8 : memref<128x128xf32, #tpu.memory_space<vmem>>) offsets(%dma_start3A_31 : memref<128xi32, #tpu.memory_space<vmem>>) semaphore(%arg11 : memref<!tpu.dma_semaphore, #tpu.memory_space<semaphore_mem>>)
      %scan3A_35 = arith.constant 0 : i32
      %scan3A_36 = arith.constant 20 : i32
      %scan3A_37 = arith.addi %scan3A_35, %scan3A_36 : i32
      %scan3A_38 = arith.constant 1 : i32
      scf.for %scan3A_46 = %scan3A_35 to %scan3A_37 step %scan3A_38  : i32 {
        %mul3A_47 = arith.constant 2 : i32
        %mul3A_48 = arith.muli %scan3A_46, %mul3A_47 : i32
        %add3A_49 = arith.constant 0 : i32
        %add3A_50 = arith.addi %add3A_49, %mul3A_48 : i32
        %add3A_51 = arith.constant 1 : i32
        %add3A_52 = arith.addi %add3A_50, %add3A_51 : i32
        %add3A_53 = arith.constant 2 : i32
        %add3A_54 = arith.addi %add3A_50, %add3A_53 : i32
        %min3A = arith.constant 39 : i32
        %min3A_55 = arith.minsi %add3A_54, %min3A : i32
        %dma_start3A_56 = arith.constant 0 : i32
        %dma_start3A_57 = tpu.memref_slice %arg6[%add3A_52, %dma_start3A_56] : memref<40x128xi32, #tpu.memory_space<vmem>> -> memref<1x128xi32, #tpu.memory_space<vmem>>
        %dma_start3A_58 = tpu.memref_squeeze %dma_start3A_57 : memref<1x128xi32, #tpu.memory_space<vmem>> -> memref<128xi32, #tpu.memory_space<vmem>>
        %dma_start3A_59 = arith.constant 0 : i32
        %dma_start3A_60 = arith.constant 0 : i32
        %dma_start3A_61 = tpu.memref_slice %arg2[%dma_start3A_59, %dma_start3A_60] : memref<10000x128xf32, #tpu.memory_space<hbm>> -> memref<10000x128xf32, #tpu.memory_space<hbm>>
        tpu.enqueue_indirect_dma source(%dma_start3A_61 : memref<10000x128xf32, #tpu.memory_space<hbm>>) target(%arg9 : memref<128x128xf32, #tpu.memory_space<vmem>>) offsets(%dma_start3A_58 : memref<128xi32, #tpu.memory_space<vmem>>) semaphore(%arg12 : memref<!tpu.dma_semaphore, #tpu.memory_space<semaphore_mem>>)
        %dma_wait3A_62 = arith.constant 0 : i32
        %dma_wait3A_63 = tpu.memref_slice %arg6[%add3A_50, %dma_wait3A_62] : memref<40x128xi32, #tpu.memory_space<vmem>> -> memref<1x128xi32, #tpu.memory_space<vmem>>
        %dma_wait3A_64 = tpu.memref_squeeze %dma_wait3A_63 : memref<1x128xi32, #tpu.memory_space<vmem>> -> memref<128xi32, #tpu.memory_space<vmem>>
        %dma_wait3A_65 = arith.constant 0 : i32
        %dma_wait3A_66 = arith.constant 0 : i32
        %dma_wait3A_67 = tpu.memref_slice %arg2[%dma_wait3A_65, %dma_wait3A_66] : memref<10000x128xf32, #tpu.memory_space<hbm>> -> memref<10000x128xf32, #tpu.memory_space<hbm>>
        tpu.wait_indirect_dma semaphore(%arg11 : memref<!tpu.dma_semaphore, #tpu.memory_space<semaphore_mem>>) src(%dma_wait3A_67 : memref<10000x128xf32, #tpu.memory_space<hbm>>) dst(%arg8 : memref<128x128xf32, #tpu.memory_space<vmem>>)
        "tpu.region"() ({
          %run_scoped3A = tpu.sem_alloc : memref<!tpu.dma_semaphore, #tpu.memory_space<semaphore_mem>>
          %dma_start3A_80 = arith.constant 0 : i32
          %dma_start3A_81 = tpu.memref_slice %arg7[%add3A_50, %dma_start3A_80] : memref<40x128xi32, #tpu.memory_space<vmem>> -> memref<1x128xi32, #tpu.memory_space<vmem>>
          %dma_start3A_82 = tpu.memref_squeeze %dma_start3A_81 : memref<1x128xi32, #tpu.memory_space<vmem>> -> memref<128xi32, #tpu.memory_space<vmem>>
          %dma_start3A_83 = arith.constant 0 : i32
          %dma_start3A_84 = arith.constant 0 : i32
          %dma_start3A_85 = tpu.memref_slice %arg10[%dma_start3A_83, %dma_start3A_84] : memref<10112x128xf32, #tpu.memory_space<vmem_shared>> -> memref<10112x128xf32, #tpu.memory_space<vmem_shared>>
          tpu.enqueue_indirect_dma source(%arg8 : memref<128x128xf32, #tpu.memory_space<vmem>>) target(%dma_start3A_85 : memref<10112x128xf32, #tpu.memory_space<vmem_shared>>) offsets(%dma_start3A_82 : memref<128xi32, #tpu.memory_space<vmem>>) semaphore(%run_scoped3A : memref<!tpu.dma_semaphore, #tpu.memory_space<semaphore_mem>>) {add = true}
          %dma_wait3A_86 = arith.constant 0 : i32
          %dma_wait3A_87 = tpu.memref_slice %arg7[%add3A_50, %dma_wait3A_86] : memref<40x128xi32, #tpu.memory_space<vmem>> -> memref<1x128xi32, #tpu.memory_space<vmem>>
          %dma_wait3A_88 = tpu.memref_squeeze %dma_wait3A_87 : memref<1x128xi32, #tpu.memory_space<vmem>> -> memref<128xi32, #tpu.memory_space<vmem>>
          %dma_wait3A_89 = arith.constant 0 : i32
          %dma_wait3A_90 = arith.constant 0 : i32
          %dma_wait3A_91 = tpu.memref_slice %arg10[%dma_wait3A_89, %dma_wait3A_90] : memref<10112x128xf32, #tpu.memory_space<vmem_shared>> -> memref<10112x128xf32, #tpu.memory_space<vmem_shared>>
          tpu.wait_indirect_dma semaphore(%run_scoped3A : memref<!tpu.dma_semaphore, #tpu.memory_space<semaphore_mem>>) src(%arg8 : memref<128x128xf32, #tpu.memory_space<vmem>>) dst(%dma_wait3A_91 : memref<10112x128xf32, #tpu.memory_space<vmem_shared>>)
          tpu.yield
        }) : () -> ()
        %dma_start3A_68 = arith.constant 0 : i32
        %dma_start3A_69 = tpu.memref_slice %arg6[%min3A_55, %dma_start3A_68] : memref<40x128xi32, #tpu.memory_space<vmem>> -> memref<1x128xi32, #tpu.memory_space<vmem>>
        %dma_start3A_70 = tpu.memref_squeeze %dma_start3A_69 : memref<1x128xi32, #tpu.memory_space<vmem>> -> memref<128xi32, #tpu.memory_space<vmem>>
        %dma_start3A_71 = arith.constant 0 : i32
        %dma_start3A_72 = arith.constant 0 : i32
        %dma_start3A_73 = tpu.memref_slice %arg2[%dma_start3A_71, %dma_start3A_72] : memref<10000x128xf32, #tpu.memory_space<hbm>> -> memref<10000x128xf32, #tpu.memory_space<hbm>>
        tpu.enqueue_indirect_dma source(%dma_start3A_73 : memref<10000x128xf32, #tpu.memory_space<hbm>>) target(%arg8 : memref<128x128xf32, #tpu.memory_space<vmem>>) offsets(%dma_start3A_70 : memref<128xi32, #tpu.memory_space<vmem>>) semaphore(%arg11 : memref<!tpu.dma_semaphore, #tpu.memory_space<semaphore_mem>>)
        %dma_wait3A_74 = arith.constant 0 : i32
        %dma_wait3A_75 = tpu.memref_slice %arg6[%add3A_52, %dma_wait3A_74] : memref<40x128xi32, #tpu.memory_space<vmem>> -> memref<1x128xi32, #tpu.memory_space<vmem>>
        %dma_wait3A_76 = tpu.memref_squeeze %dma_wait3A_75 : memref<1x128xi32, #tpu.memory_space<vmem>> -> memref<128xi32, #tpu.memory_space<vmem>>
        %dma_wait3A_77 = arith.constant 0 : i32
        %dma_wait3A_78 = arith.constant 0 : i32
        %dma_wait3A_79 = tpu.memref_slice %arg2[%dma_wait3A_77, %dma_wait3A_78] : memref<10000x128xf32, #tpu.memory_space<hbm>> -> memref<10000x128xf32, #tpu.memory_space<hbm>>
        tpu.wait_indirect_dma semaphore(%arg12 : memref<!tpu.dma_semaphore, #tpu.memory_space<semaphore_mem>>) src(%dma_wait3A_79 : memref<10000x128xf32, #tpu.memory_space<hbm>>) dst(%arg9 : memref<128x128xf32, #tpu.memory_space<vmem>>)
        "tpu.region"() ({
          %run_scoped3A = tpu.sem_alloc : memref<!tpu.dma_semaphore, #tpu.memory_space<semaphore_mem>>
          %dma_start3A_80 = arith.constant 0 : i32
          %dma_start3A_81 = tpu.memref_slice %arg7[%add3A_52, %dma_start3A_80] : memref<40x128xi32, #tpu.memory_space<vmem>> -> memref<1x128xi32, #tpu.memory_space<vmem>>
          %dma_start3A_82 = tpu.memref_squeeze %dma_start3A_81 : memref<1x128xi32, #tpu.memory_space<vmem>> -> memref<128xi32, #tpu.memory_space<vmem>>
          %dma_start3A_83 = arith.constant 0 : i32
          %dma_start3A_84 = arith.constant 0 : i32
          %dma_start3A_85 = tpu.memref_slice %arg10[%dma_start3A_83, %dma_start3A_84] : memref<10112x128xf32, #tpu.memory_space<vmem_shared>> -> memref<10112x128xf32, #tpu.memory_space<vmem_shared>>
          tpu.enqueue_indirect_dma source(%arg9 : memref<128x128xf32, #tpu.memory_space<vmem>>) target(%dma_start3A_85 : memref<10112x128xf32, #tpu.memory_space<vmem_shared>>) offsets(%dma_start3A_82 : memref<128xi32, #tpu.memory_space<vmem>>) semaphore(%run_scoped3A : memref<!tpu.dma_semaphore, #tpu.memory_space<semaphore_mem>>) {add = true}
          %dma_wait3A_86 = arith.constant 0 : i32
          %dma_wait3A_87 = tpu.memref_slice %arg7[%add3A_52, %dma_wait3A_86] : memref<40x128xi32, #tpu.memory_space<vmem>> -> memref<1x128xi32, #tpu.memory_space<vmem>>
          %dma_wait3A_88 = tpu.memref_squeeze %dma_wait3A_87 : memref<1x128xi32, #tpu.memory_space<vmem>> -> memref<128xi32, #tpu.memory_space<vmem>>
          %dma_wait3A_89 = arith.constant 0 : i32
          %dma_wait3A_90 = arith.constant 0 : i32
          %dma_wait3A_91 = tpu.memref_slice %arg10[%dma_wait3A_89, %dma_wait3A_90] : memref<10112x128xf32, #tpu.memory_space<vmem_shared>> -> memref<10112x128xf32, #tpu.memory_space<vmem_shared>>
          tpu.wait_indirect_dma semaphore(%run_scoped3A : memref<!tpu.dma_semaphore, #tpu.memory_space<semaphore_mem>>) src(%arg9 : memref<128x128xf32, #tpu.memory_space<vmem>>) dst(%dma_wait3A_91 : memref<10112x128xf32, #tpu.memory_space<vmem_shared>>)
          tpu.yield
        }) : () -> ()
      }
      %scan3A_39 = arith.constant 20 : i32
      %dma_wait3A = arith.constant 39 : i32
      %dma_wait3A_40 = arith.constant 0 : i32
      %dma_wait3A_41 = tpu.memref_slice %arg6[%dma_wait3A, %dma_wait3A_40] : memref<40x128xi32, #tpu.memory_space<vmem>> -> memref<1x128xi32, #tpu.memory_space<vmem>>
      %dma_wait3A_42 = tpu.memref_squeeze %dma_wait3A_41 : memref<1x128xi32, #tpu.memory_space<vmem>> -> memref<128xi32, #tpu.memory_space<vmem>>
      %dma_wait3A_43 = arith.constant 0 : i32
      %dma_wait3A_44 = arith.constant 0 : i32
      %dma_wait3A_45 = tpu.memref_slice %arg2[%dma_wait3A_43, %dma_wait3A_44] : memref<10000x128xf32, #tpu.memory_space<hbm>> -> memref<10000x128xf32, #tpu.memory_space<hbm>>
      tpu.wait_indirect_dma semaphore(%arg11 : memref<!tpu.dma_semaphore, #tpu.memory_space<semaphore_mem>>) src(%dma_wait3A_45 : memref<10000x128xf32, #tpu.memory_space<hbm>>) dst(%arg8 : memref<128x128xf32, #tpu.memory_space<vmem>>)
    }
    %scan3A_18 = arith.constant 2 : i32
    %barrier3A_19 = arith.constant 0 : index
    tpu.barrier barrier_id(%barrier3A_19)
    "tpu.region"() ({
      %run_scoped3A = tpu.sem_alloc : memref<!tpu.dma_semaphore, #tpu.memory_space<semaphore_mem>>
      %dma_start3A = arith.constant 0 : i32
      %dma_start3A_20 = tpu.memref_slice %arg5[%arg0, %mul3A_0, %dma_start3A] : memref<2x10112x128xf32, #tpu.memory_space<hbm>> -> memref<1x632x128xf32, #tpu.memory_space<hbm>>
      %dma_start3A_21 = tpu.memref_squeeze %dma_start3A_20 : memref<1x632x128xf32, #tpu.memory_space<hbm>> -> memref<632x128xf32, #tpu.memory_space<hbm>>
      %dma_start3A_22 = arith.constant 0 : i32
      %dma_start3A_23 = tpu.memref_slice %arg10[%mul3A_0, %dma_start3A_22] : memref<10112x128xf32, #tpu.memory_space<vmem_shared>> -> memref<632x128xf32, #tpu.memory_space<vmem_shared>>
      tpu.enqueue_dma source(%dma_start3A_23 : memref<632x128xf32, #tpu.memory_space<vmem_shared>>) target(%dma_start3A_21 : memref<632x128xf32, #tpu.memory_space<hbm>>) target_semaphore(%run_scoped3A : memref<!tpu.dma_semaphore, #tpu.memory_space<semaphore_mem>>)
      %dma_wait3A = arith.constant 0 : i32
      %dma_wait3A_24 = tpu.memref_slice %arg5[%arg0, %mul3A_0, %dma_wait3A] : memref<2x10112x128xf32, #tpu.memory_space<hbm>> -> memref<1x632x128xf32, #tpu.memory_space<hbm>>
      %dma_wait3A_25 = tpu.memref_squeeze %dma_wait3A_24 : memref<1x632x128xf32, #tpu.memory_space<hbm>> -> memref<632x128xf32, #tpu.memory_space<hbm>>
      %dma_wait3A_26 = arith.constant 0 : i32
      %dma_wait3A_27 = tpu.memref_slice %arg10[%mul3A_0, %dma_wait3A_26] : memref<10112x128xf32, #tpu.memory_space<vmem_shared>> -> memref<632x128xf32, #tpu.memory_space<vmem_shared>>
      tpu.wait_dma2 semaphore(%run_scoped3A : memref<!tpu.dma_semaphore, #tpu.memory_space<semaphore_mem>>) src(%dma_wait3A_27 : memref<632x128xf32, #tpu.memory_space<vmem_shared>>) dst(%dma_wait3A_25 : memref<632x128xf32, #tpu.memory_space<hbm>>)
      tpu.yield
    }) : () -> ()
    return
  }
}

#map = affine_map<(d0, d1) -> (0, 0)>
#map1 = affine_map<(d0, d1) -> (0, 0, 0, 0)>
#map2 = affine_map<(d0, d1) -> (0, 0, 0)>
module attributes {stable_mosaic.version = 14 : i64} {
  func.func @_segsum2_body(%arg0: i32, %arg1: i32, %arg2: memref<10000x128xf32, #tpu.memory_space<hbm>>, %arg3: memref<2x16x80x128xi32, #tpu.memory_space<hbm>>, %arg4: memref<2x16x80x128xi32, #tpu.memory_space<hbm>>, %arg5: memref<2x10112x128xf32, #tpu.memory_space<hbm>>, %arg6: memref<40x128xi32, #tpu.memory_space<vmem>>, %arg7: memref<40x128xi32, #tpu.memory_space<vmem>>, %arg8: memref<128x128xf32, #tpu.memory_space<vmem>>, %arg9: memref<128x128xf32, #tpu.memory_space<vmem>>, %arg10: memref<10112x128xf32, #tpu.memory_space<vmem_shared>>, %arg11: memref<!tpu.dma_semaphore, #tpu.memory_space<semaphore_mem>>, %arg12: memref<!tpu.dma_semaphore, #tpu.memory_space<semaphore_mem>>, %arg13: memref<!tpu.dma_semaphore, #tpu.memory_space<semaphore_mem>>, %arg14: memref<!tpu.dma_semaphore, #tpu.memory_space<semaphore_mem>>) attributes {dimension_semantics = [#tpu.dimension_semantics<core_parallel>, #tpu.dimension_semantics<subcore_parallel>], iteration_bounds = array<i64: 2, 16>, scalar_prefetch = 0 : i64, scratch_operands = 9 : i64, tpu.core_type = #tpu.core_type<sc_vector_subcore>, window_params = [{transform_indices = #map}, {transform_indices = #map1}, {transform_indices = #map1}, {transform_indices = #map2}]} {
    %mul3A = arith.constant 632 : i32
    %mul3A_0 = arith.muli %arg1, %mul3A : i32
    %scan3A = arith.constant 0 : i32
    %scan3A_1 = arith.constant 128 : i32
    %scan3A_2 = arith.addi %scan3A, %scan3A_1 : i32
    %scan3A_3 = arith.constant 1 : i32
    scf.for %scan3A_20 = %scan3A to %scan3A_2 step %scan3A_3  : i32 {
      %mul3A_21 = arith.constant 1 : i32
      %mul3A_22 = arith.muli %scan3A_20, %mul3A_21 : i32
      %add3A_23 = arith.constant 0 : i32
      %add3A_24 = arith.addi %add3A_23, %mul3A_22 : i32
      %scan3A_25 = arith.constant 0 : i32
      %scan3A_26 = arith.constant 8 : i32
      %scan3A_27 = arith.addi %scan3A_25, %scan3A_26 : i32
      %scan3A_28 = arith.constant 1 : i32
      scf.for %scan3A_30 = %scan3A_25 to %scan3A_27 step %scan3A_28  : i32 {
        %mul3A_31 = arith.constant 1 : i32
        %mul3A_32 = arith.muli %scan3A_30, %mul3A_31 : i32
        %add3A_33 = arith.constant 0 : i32
        %add3A_34 = arith.addi %add3A_33, %mul3A_32 : i32
        %broadcast_in_dim3A = arith.constant 0.000000e+00 : f32
        %broadcast_in_dim3A_35 = vector.broadcast %broadcast_in_dim3A : f32 to vector<16xf32>
        %mul3A_36 = arith.constant 16 : i32
        %mul3A_37 = arith.muli %add3A_34, %mul3A_36 : i32
        %swap3A = arith.index_cast %add3A_24 : i32 to index
        %swap3A_38 = arith.index_cast %mul3A_37 : i32 to index
        %swap3A_39 = tpu.vector_load %arg8[%swap3A, %swap3A_38] {strides = array<i32>} : memref<128x128xf32, #tpu.memory_space<vmem>>, vector<1x16xf32>,
        %swap3A_40 = vector.shape_cast %swap3A_39 : vector<1x16xf32> to vector<16xf32>
        %swap3A_41 = vector.shape_cast %broadcast_in_dim3A_35 : vector<16xf32> to vector<1x16xf32>
        tpu.vector_store %arg8[%swap3A, %swap3A_38], %swap3A_41 {strides = array<i32>} : memref<128x128xf32, #tpu.memory_space<vmem>>, vector<1x16xf32>,
      }
      %scan3A_29 = arith.constant 8 : i32
    }
    %scan3A_4 = arith.constant 128 : i32
    %add3A = arith.constant 0 : i32
    %add3A_5 = arith.addi %mul3A_0, %add3A : i32
    "tpu.region"() ({
      %run_scoped3A = tpu.sem_alloc : memref<!tpu.dma_semaphore, #tpu.memory_space<semaphore_mem>>
      %dma_start3A = arith.constant 0 : i32
      %dma_start3A_20 = tpu.memref_slice %arg10[%add3A_5, %dma_start3A] : memref<10112x128xf32, #tpu.memory_space<vmem_shared>> -> memref<128x128xf32, #tpu.memory_space<vmem_shared>>
      %dma_start3A_21 = arith.constant 0 : i32
      %dma_start3A_22 = tpu.memref_slice %arg10[%add3A_5, %dma_start3A_21] : memref<10112x128xf32, #tpu.memory_space<vmem_shared>> -> memref<128x128xf32, #tpu.memory_space<vmem_shared>>
      tpu.enqueue_dma source(%arg8 : memref<128x128xf32, #tpu.memory_space<vmem>>) target(%dma_start3A_22 : memref<128x128xf32, #tpu.memory_space<vmem_shared>>) target_semaphore(%run_scoped3A : memref<!tpu.dma_semaphore, #tpu.memory_space<semaphore_mem>>)
      %dma_wait3A = arith.constant 0 : i32
      %dma_wait3A_23 = tpu.memref_slice %arg10[%add3A_5, %dma_wait3A] : memref<10112x128xf32, #tpu.memory_space<vmem_shared>> -> memref<128x128xf32, #tpu.memory_space<vmem_shared>>
      %dma_wait3A_24 = arith.constant 0 : i32
      %dma_wait3A_25 = tpu.memref_slice %arg10[%add3A_5, %dma_wait3A_24] : memref<10112x128xf32, #tpu.memory_space<vmem_shared>> -> memref<128x128xf32, #tpu.memory_space<vmem_shared>>
      tpu.wait_dma2 semaphore(%run_scoped3A : memref<!tpu.dma_semaphore, #tpu.memory_space<semaphore_mem>>) src(%arg8 : memref<128x128xf32, #tpu.memory_space<vmem>>) dst(%dma_wait3A_25 : memref<128x128xf32, #tpu.memory_space<vmem_shared>>)
      tpu.yield
    }) : () -> ()
    %add3A_6 = arith.constant 128 : i32
    %add3A_7 = arith.addi %mul3A_0, %add3A_6 : i32
    "tpu.region"() ({
      %run_scoped3A = tpu.sem_alloc : memref<!tpu.dma_semaphore, #tpu.memory_space<semaphore_mem>>
      %dma_start3A = arith.constant 0 : i32
      %dma_start3A_20 = tpu.memref_slice %arg10[%add3A_7, %dma_start3A] : memref<10112x128xf32, #tpu.memory_space<vmem_shared>> -> memref<128x128xf32, #tpu.memory_space<vmem_shared>>
      %dma_start3A_21 = arith.constant 0 : i32
      %dma_start3A_22 = tpu.memref_slice %arg10[%add3A_7, %dma_start3A_21] : memref<10112x128xf32, #tpu.memory_space<vmem_shared>> -> memref<128x128xf32, #tpu.memory_space<vmem_shared>>
      tpu.enqueue_dma source(%arg8 : memref<128x128xf32, #tpu.memory_space<vmem>>) target(%dma_start3A_22 : memref<128x128xf32, #tpu.memory_space<vmem_shared>>) target_semaphore(%run_scoped3A : memref<!tpu.dma_semaphore, #tpu.memory_space<semaphore_mem>>)
      %dma_wait3A = arith.constant 0 : i32
      %dma_wait3A_23 = tpu.memref_slice %arg10[%add3A_7, %dma_wait3A] : memref<10112x128xf32, #tpu.memory_space<vmem_shared>> -> memref<128x128xf32, #tpu.memory_space<vmem_shared>>
      %dma_wait3A_24 = arith.constant 0 : i32
      %dma_wait3A_25 = tpu.memref_slice %arg10[%add3A_7, %dma_wait3A_24] : memref<10112x128xf32, #tpu.memory_space<vmem_shared>> -> memref<128x128xf32, #tpu.memory_space<vmem_shared>>
      tpu.wait_dma2 semaphore(%run_scoped3A : memref<!tpu.dma_semaphore, #tpu.memory_space<semaphore_mem>>) src(%arg8 : memref<128x128xf32, #tpu.memory_space<vmem>>) dst(%dma_wait3A_25 : memref<128x128xf32, #tpu.memory_space<vmem_shared>>)
      tpu.yield
    }) : () -> ()
    %add3A_8 = arith.constant 256 : i32
    %add3A_9 = arith.addi %mul3A_0, %add3A_8 : i32
    "tpu.region"() ({
      %run_scoped3A = tpu.sem_alloc : memref<!tpu.dma_semaphore, #tpu.memory_space<semaphore_mem>>
      %dma_start3A = arith.constant 0 : i32
      %dma_start3A_20 = tpu.memref_slice %arg10[%add3A_9, %dma_start3A] : memref<10112x128xf32, #tpu.memory_space<vmem_shared>> -> memref<128x128xf32, #tpu.memory_space<vmem_shared>>
      %dma_start3A_21 = arith.constant 0 : i32
      %dma_start3A_22 = tpu.memref_slice %arg10[%add3A_9, %dma_start3A_21] : memref<10112x128xf32, #tpu.memory_space<vmem_shared>> -> memref<128x128xf32, #tpu.memory_space<vmem_shared>>
      tpu.enqueue_dma source(%arg8 : memref<128x128xf32, #tpu.memory_space<vmem>>) target(%dma_start3A_22 : memref<128x128xf32, #tpu.memory_space<vmem_shared>>) target_semaphore(%run_scoped3A : memref<!tpu.dma_semaphore, #tpu.memory_space<semaphore_mem>>)
      %dma_wait3A = arith.constant 0 : i32
      %dma_wait3A_23 = tpu.memref_slice %arg10[%add3A_9, %dma_wait3A] : memref<10112x128xf32, #tpu.memory_space<vmem_shared>> -> memref<128x128xf32, #tpu.memory_space<vmem_shared>>
      %dma_wait3A_24 = arith.constant 0 : i32
      %dma_wait3A_25 = tpu.memref_slice %arg10[%add3A_9, %dma_wait3A_24] : memref<10112x128xf32, #tpu.memory_space<vmem_shared>> -> memref<128x128xf32, #tpu.memory_space<vmem_shared>>
      tpu.wait_dma2 semaphore(%run_scoped3A : memref<!tpu.dma_semaphore, #tpu.memory_space<semaphore_mem>>) src(%arg8 : memref<128x128xf32, #tpu.memory_space<vmem>>) dst(%dma_wait3A_25 : memref<128x128xf32, #tpu.memory_space<vmem_shared>>)
      tpu.yield
    }) : () -> ()
    %add3A_10 = arith.constant 384 : i32
    %add3A_11 = arith.addi %mul3A_0, %add3A_10 : i32
    "tpu.region"() ({
      %run_scoped3A = tpu.sem_alloc : memref<!tpu.dma_semaphore, #tpu.memory_space<semaphore_mem>>
      %dma_start3A = arith.constant 0 : i32
      %dma_start3A_20 = tpu.memref_slice %arg10[%add3A_11, %dma_start3A] : memref<10112x128xf32, #tpu.memory_space<vmem_shared>> -> memref<128x128xf32, #tpu.memory_space<vmem_shared>>
      %dma_start3A_21 = arith.constant 0 : i32
      %dma_start3A_22 = tpu.memref_slice %arg10[%add3A_11, %dma_start3A_21] : memref<10112x128xf32, #tpu.memory_space<vmem_shared>> -> memref<128x128xf32, #tpu.memory_space<vmem_shared>>
      tpu.enqueue_dma source(%arg8 : memref<128x128xf32, #tpu.memory_space<vmem>>) target(%dma_start3A_22 : memref<128x128xf32, #tpu.memory_space<vmem_shared>>) target_semaphore(%run_scoped3A : memref<!tpu.dma_semaphore, #tpu.memory_space<semaphore_mem>>)
      %dma_wait3A = arith.constant 0 : i32
      %dma_wait3A_23 = tpu.memref_slice %arg10[%add3A_11, %dma_wait3A] : memref<10112x128xf32, #tpu.memory_space<vmem_shared>> -> memref<128x128xf32, #tpu.memory_space<vmem_shared>>
      %dma_wait3A_24 = arith.constant 0 : i32
      %dma_wait3A_25 = tpu.memref_slice %arg10[%add3A_11, %dma_wait3A_24] : memref<10112x128xf32, #tpu.memory_space<vmem_shared>> -> memref<128x128xf32, #tpu.memory_space<vmem_shared>>
      tpu.wait_dma2 semaphore(%run_scoped3A : memref<!tpu.dma_semaphore, #tpu.memory_space<semaphore_mem>>) src(%arg8 : memref<128x128xf32, #tpu.memory_space<vmem>>) dst(%dma_wait3A_25 : memref<128x128xf32, #tpu.memory_space<vmem_shared>>)
      tpu.yield
    }) : () -> ()
    %add3A_12 = arith.constant 512 : i32
    %add3A_13 = arith.addi %mul3A_0, %add3A_12 : i32
    "tpu.region"() ({
      %run_scoped3A = tpu.sem_alloc : memref<!tpu.dma_semaphore, #tpu.memory_space<semaphore_mem>>
      %dma_start3A = arith.constant 0 : i32
      %dma_start3A_20 = arith.constant 0 : i32
      %dma_start3A_21 = tpu.memref_slice %arg8[%dma_start3A, %dma_start3A_20] : memref<128x128xf32, #tpu.memory_space<vmem>> -> memref<120x128xf32, #tpu.memory_space<vmem>>
      %dma_start3A_22 = arith.constant 0 : i32
      %dma_start3A_23 = tpu.memref_slice %arg10[%add3A_13, %dma_start3A_22] : memref<10112x128xf32, #tpu.memory_space<vmem_shared>> -> memref<120x128xf32, #tpu.memory_space<vmem_shared>>
      %dma_start3A_24 = arith.constant 0 : i32
      %dma_start3A_25 = tpu.memref_slice %arg10[%add3A_13, %dma_start3A_24] : memref<10112x128xf32, #tpu.memory_space<vmem_shared>> -> memref<120x128xf32, #tpu.memory_space<vmem_shared>>
      %dma_start3A_26 = arith.constant 0 : i32
      %dma_start3A_27 = arith.constant 0 : i32
      %dma_start3A_28 = tpu.memref_slice %arg8[%dma_start3A_26, %dma_start3A_27] : memref<128x128xf32, #tpu.memory_space<vmem>> -> memref<120x128xf32, #tpu.memory_space<vmem>>
      tpu.enqueue_dma source(%dma_start3A_28 : memref<120x128xf32, #tpu.memory_space<vmem>>) target(%dma_start3A_25 : memref<120x128xf32, #tpu.memory_space<vmem_shared>>) target_semaphore(%run_scoped3A : memref<!tpu.dma_semaphore, #tpu.memory_space<semaphore_mem>>)
      %dma_wait3A = arith.constant 0 : i32
      %dma_wait3A_29 = arith.constant 0 : i32
      %dma_wait3A_30 = tpu.memref_slice %arg8[%dma_wait3A, %dma_wait3A_29] : memref<128x128xf32, #tpu.memory_space<vmem>> -> memref<120x128xf32, #tpu.memory_space<vmem>>
      %dma_wait3A_31 = arith.constant 0 : i32
      %dma_wait3A_32 = tpu.memref_slice %arg10[%add3A_13, %dma_wait3A_31] : memref<10112x128xf32, #tpu.memory_space<vmem_shared>> -> memref<120x128xf32, #tpu.memory_space<vmem_shared>>
      %dma_wait3A_33 = arith.constant 0 : i32
      %dma_wait3A_34 = tpu.memref_slice %arg10[%add3A_13, %dma_wait3A_33] : memref<10112x128xf32, #tpu.memory_space<vmem_shared>> -> memref<120x128xf32, #tpu.memory_space<vmem_shared>>
      %dma_wait3A_35 = arith.constant 0 : i32
      %dma_wait3A_36 = arith.constant 0 : i32
      %dma_wait3A_37 = tpu.memref_slice %arg8[%dma_wait3A_35, %dma_wait3A_36] : memref<128x128xf32, #tpu.memory_space<vmem>> -> memref<120x128xf32, #tpu.memory_space<vmem>>
      tpu.wait_dma2 semaphore(%run_scoped3A : memref<!tpu.dma_semaphore, #tpu.memory_space<semaphore_mem>>) src(%dma_wait3A_37 : memref<120x128xf32, #tpu.memory_space<vmem>>) dst(%dma_wait3A_34 : memref<120x128xf32, #tpu.memory_space<vmem_shared>>)
      tpu.yield
    }) : () -> ()
    %barrier3A = arith.constant 0 : index
    tpu.barrier barrier_id(%barrier3A)
    %scan3A_14 = arith.constant 0 : i32
    %scan3A_15 = arith.constant 2 : i32
    %scan3A_16 = arith.addi %scan3A_14, %scan3A_15 : i32
    %scan3A_17 = arith.constant 1 : i32
    scf.for %scan3A_20 = %scan3A_14 to %scan3A_16 step %scan3A_17  : i32 {
      %mul3A_21 = arith.constant 1 : i32
      %mul3A_22 = arith.muli %scan3A_20, %mul3A_21 : i32
      %add3A_23 = arith.constant 0 : i32
      %add3A_24 = arith.addi %add3A_23, %mul3A_22 : i32
      %mul3A_25 = arith.constant 40 : i32
      %mul3A_26 = arith.muli %add3A_24, %mul3A_25 : i32
      "tpu.region"() ({
        %run_scoped3A = tpu.sem_alloc : memref<!tpu.dma_semaphore, #tpu.memory_space<semaphore_mem>>
        %dma_start3A_46 = arith.constant 0 : i32
        %dma_start3A_47 = tpu.memref_slice %arg3[%arg0, %arg1, %mul3A_26, %dma_start3A_46] : memref<2x16x80x128xi32, #tpu.memory_space<hbm>> -> memref<1x1x40x128xi32, #tpu.memory_space<hbm>>
        %dma_start3A_48 = tpu.memref_squeeze %dma_start3A_47 : memref<1x1x40x128xi32, #tpu.memory_space<hbm>> -> memref<40x128xi32, #tpu.memory_space<hbm>>
        %dma_start3A_49 = arith.constant 0 : i32
        %dma_start3A_50 = tpu.memref_slice %arg3[%arg0, %arg1, %mul3A_26, %dma_start3A_49] : memref<2x16x80x128xi32, #tpu.memory_space<hbm>> -> memref<1x1x40x128xi32, #tpu.memory_space<hbm>>
        %dma_start3A_51 = tpu.memref_squeeze %dma_start3A_50 : memref<1x1x40x128xi32, #tpu.memory_space<hbm>> -> memref<40x128xi32, #tpu.memory_space<hbm>>
        tpu.enqueue_dma source(%dma_start3A_51 : memref<40x128xi32, #tpu.memory_space<hbm>>) target(%arg6 : memref<40x128xi32, #tpu.memory_space<vmem>>) target_semaphore(%run_scoped3A : memref<!tpu.dma_semaphore, #tpu.memory_space<semaphore_mem>>)
        %dma_wait3A_52 = arith.constant 0 : i32
        %dma_wait3A_53 = tpu.memref_slice %arg3[%arg0, %arg1, %mul3A_26, %dma_wait3A_52] : memref<2x16x80x128xi32, #tpu.memory_space<hbm>> -> memref<1x1x40x128xi32, #tpu.memory_space<hbm>>
        %dma_wait3A_54 = tpu.memref_squeeze %dma_wait3A_53 : memref<1x1x40x128xi32, #tpu.memory_space<hbm>> -> memref<40x128xi32, #tpu.memory_space<hbm>>
        %dma_wait3A_55 = arith.constant 0 : i32
        %dma_wait3A_56 = tpu.memref_slice %arg3[%arg0, %arg1, %mul3A_26, %dma_wait3A_55] : memref<2x16x80x128xi32, #tpu.memory_space<hbm>> -> memref<1x1x40x128xi32, #tpu.memory_space<hbm>>
        %dma_wait3A_57 = tpu.memref_squeeze %dma_wait3A_56 : memref<1x1x40x128xi32, #tpu.memory_space<hbm>> -> memref<40x128xi32, #tpu.memory_space<hbm>>
        tpu.wait_dma2 semaphore(%run_scoped3A : memref<!tpu.dma_semaphore, #tpu.memory_space<semaphore_mem>>) src(%dma_wait3A_57 : memref<40x128xi32, #tpu.memory_space<hbm>>) dst(%arg6 : memref<40x128xi32, #tpu.memory_space<vmem>>)
        tpu.yield
      }) : () -> ()
      %mul3A_27 = arith.constant 40 : i32
      %mul3A_28 = arith.muli %add3A_24, %mul3A_27 : i32
      "tpu.region"() ({
        %run_scoped3A = tpu.sem_alloc : memref<!tpu.dma_semaphore, #tpu.memory_space<semaphore_mem>>
        %dma_start3A_46 = arith.constant 0 : i32
        %dma_start3A_47 = tpu.memref_slice %arg4[%arg0, %arg1, %mul3A_28, %dma_start3A_46] : memref<2x16x80x128xi32, #tpu.memory_space<hbm>> -> memref<1x1x40x128xi32, #tpu.memory_space<hbm>>
        %dma_start3A_48 = tpu.memref_squeeze %dma_start3A_47 : memref<1x1x40x128xi32, #tpu.memory_space<hbm>> -> memref<40x128xi32, #tpu.memory_space<hbm>>
        %dma_start3A_49 = arith.constant 0 : i32
        %dma_start3A_50 = tpu.memref_slice %arg4[%arg0, %arg1, %mul3A_28, %dma_start3A_49] : memref<2x16x80x128xi32, #tpu.memory_space<hbm>> -> memref<1x1x40x128xi32, #tpu.memory_space<hbm>>
        %dma_start3A_51 = tpu.memref_squeeze %dma_start3A_50 : memref<1x1x40x128xi32, #tpu.memory_space<hbm>> -> memref<40x128xi32, #tpu.memory_space<hbm>>
        tpu.enqueue_dma source(%dma_start3A_51 : memref<40x128xi32, #tpu.memory_space<hbm>>) target(%arg7 : memref<40x128xi32, #tpu.memory_space<vmem>>) target_semaphore(%run_scoped3A : memref<!tpu.dma_semaphore, #tpu.memory_space<semaphore_mem>>)
        %dma_wait3A_52 = arith.constant 0 : i32
        %dma_wait3A_53 = tpu.memref_slice %arg4[%arg0, %arg1, %mul3A_28, %dma_wait3A_52] : memref<2x16x80x128xi32, #tpu.memory_space<hbm>> -> memref<1x1x40x128xi32, #tpu.memory_space<hbm>>
        %dma_wait3A_54 = tpu.memref_squeeze %dma_wait3A_53 : memref<1x1x40x128xi32, #tpu.memory_space<hbm>> -> memref<40x128xi32, #tpu.memory_space<hbm>>
        %dma_wait3A_55 = arith.constant 0 : i32
        %dma_wait3A_56 = tpu.memref_slice %arg4[%arg0, %arg1, %mul3A_28, %dma_wait3A_55] : memref<2x16x80x128xi32, #tpu.memory_space<hbm>> -> memref<1x1x40x128xi32, #tpu.memory_space<hbm>>
        %dma_wait3A_57 = tpu.memref_squeeze %dma_wait3A_56 : memref<1x1x40x128xi32, #tpu.memory_space<hbm>> -> memref<40x128xi32, #tpu.memory_space<hbm>>
        tpu.wait_dma2 semaphore(%run_scoped3A : memref<!tpu.dma_semaphore, #tpu.memory_space<semaphore_mem>>) src(%dma_wait3A_57 : memref<40x128xi32, #tpu.memory_space<hbm>>) dst(%arg7 : memref<40x128xi32, #tpu.memory_space<vmem>>)
        tpu.yield
      }) : () -> ()
      %dma_start3A = arith.constant 0 : i32
      %dma_start3A_29 = arith.constant 0 : i32
      %dma_start3A_30 = tpu.memref_slice %arg6[%dma_start3A, %dma_start3A_29] : memref<40x128xi32, #tpu.memory_space<vmem>> -> memref<1x128xi32, #tpu.memory_space<vmem>>
      %dma_start3A_31 = tpu.memref_squeeze %dma_start3A_30 : memref<1x128xi32, #tpu.memory_space<vmem>> -> memref<128xi32, #tpu.memory_space<vmem>>
      %dma_start3A_32 = arith.constant 0 : i32
      %dma_start3A_33 = arith.constant 0 : i32
      %dma_start3A_34 = tpu.memref_slice %arg2[%dma_start3A_32, %dma_start3A_33] : memref<10000x128xf32, #tpu.memory_space<hbm>> -> memref<10000x128xf32, #tpu.memory_space<hbm>>
      tpu.enqueue_indirect_dma source(%dma_start3A_34 : memref<10000x128xf32, #tpu.memory_space<hbm>>) target(%arg8 : memref<128x128xf32, #tpu.memory_space<vmem>>) offsets(%dma_start3A_31 : memref<128xi32, #tpu.memory_space<vmem>>) semaphore(%arg11 : memref<!tpu.dma_semaphore, #tpu.memory_space<semaphore_mem>>)
      %scan3A_35 = arith.constant 0 : i32
      %scan3A_36 = arith.constant 20 : i32
      %scan3A_37 = arith.addi %scan3A_35, %scan3A_36 : i32
      %scan3A_38 = arith.constant 1 : i32
      scf.for %scan3A_46 = %scan3A_35 to %scan3A_37 step %scan3A_38  : i32 {
        %mul3A_47 = arith.constant 2 : i32
        %mul3A_48 = arith.muli %scan3A_46, %mul3A_47 : i32
        %add3A_49 = arith.constant 0 : i32
        %add3A_50 = arith.addi %add3A_49, %mul3A_48 : i32
        %add3A_51 = arith.constant 1 : i32
        %add3A_52 = arith.addi %add3A_50, %add3A_51 : i32
        %add3A_53 = arith.constant 2 : i32
        %add3A_54 = arith.addi %add3A_50, %add3A_53 : i32
        %min3A = arith.constant 39 : i32
        %min3A_55 = arith.minsi %add3A_54, %min3A : i32
        %dma_start3A_56 = arith.constant 0 : i32
        %dma_start3A_57 = tpu.memref_slice %arg6[%add3A_52, %dma_start3A_56] : memref<40x128xi32, #tpu.memory_space<vmem>> -> memref<1x128xi32, #tpu.memory_space<vmem>>
        %dma_start3A_58 = tpu.memref_squeeze %dma_start3A_57 : memref<1x128xi32, #tpu.memory_space<vmem>> -> memref<128xi32, #tpu.memory_space<vmem>>
        %dma_start3A_59 = arith.constant 0 : i32
        %dma_start3A_60 = arith.constant 0 : i32
        %dma_start3A_61 = tpu.memref_slice %arg2[%dma_start3A_59, %dma_start3A_60] : memref<10000x128xf32, #tpu.memory_space<hbm>> -> memref<10000x128xf32, #tpu.memory_space<hbm>>
        tpu.enqueue_indirect_dma source(%dma_start3A_61 : memref<10000x128xf32, #tpu.memory_space<hbm>>) target(%arg9 : memref<128x128xf32, #tpu.memory_space<vmem>>) offsets(%dma_start3A_58 : memref<128xi32, #tpu.memory_space<vmem>>) semaphore(%arg12 : memref<!tpu.dma_semaphore, #tpu.memory_space<semaphore_mem>>)
        %dma_wait3A_62 = arith.constant 0 : i32
        %dma_wait3A_63 = tpu.memref_slice %arg6[%add3A_50, %dma_wait3A_62] : memref<40x128xi32, #tpu.memory_space<vmem>> -> memref<1x128xi32, #tpu.memory_space<vmem>>
        %dma_wait3A_64 = tpu.memref_squeeze %dma_wait3A_63 : memref<1x128xi32, #tpu.memory_space<vmem>> -> memref<128xi32, #tpu.memory_space<vmem>>
        %dma_wait3A_65 = arith.constant 0 : i32
        %dma_wait3A_66 = arith.constant 0 : i32
        %dma_wait3A_67 = tpu.memref_slice %arg2[%dma_wait3A_65, %dma_wait3A_66] : memref<10000x128xf32, #tpu.memory_space<hbm>> -> memref<10000x128xf32, #tpu.memory_space<hbm>>
        tpu.wait_indirect_dma semaphore(%arg11 : memref<!tpu.dma_semaphore, #tpu.memory_space<semaphore_mem>>) src(%dma_wait3A_67 : memref<10000x128xf32, #tpu.memory_space<hbm>>) dst(%arg8 : memref<128x128xf32, #tpu.memory_space<vmem>>)
        "tpu.region"() ({
          %run_scoped3A = tpu.sem_alloc : memref<!tpu.dma_semaphore, #tpu.memory_space<semaphore_mem>>
          %dma_start3A_80 = arith.constant 0 : i32
          %dma_start3A_81 = tpu.memref_slice %arg7[%add3A_50, %dma_start3A_80] : memref<40x128xi32, #tpu.memory_space<vmem>> -> memref<1x128xi32, #tpu.memory_space<vmem>>
          %dma_start3A_82 = tpu.memref_squeeze %dma_start3A_81 : memref<1x128xi32, #tpu.memory_space<vmem>> -> memref<128xi32, #tpu.memory_space<vmem>>
          %dma_start3A_83 = arith.constant 0 : i32
          %dma_start3A_84 = arith.constant 0 : i32
          %dma_start3A_85 = tpu.memref_slice %arg10[%dma_start3A_83, %dma_start3A_84] : memref<10112x128xf32, #tpu.memory_space<vmem_shared>> -> memref<10112x128xf32, #tpu.memory_space<vmem_shared>>
          tpu.enqueue_indirect_dma source(%arg8 : memref<128x128xf32, #tpu.memory_space<vmem>>) target(%dma_start3A_85 : memref<10112x128xf32, #tpu.memory_space<vmem_shared>>) offsets(%dma_start3A_82 : memref<128xi32, #tpu.memory_space<vmem>>) semaphore(%run_scoped3A : memref<!tpu.dma_semaphore, #tpu.memory_space<semaphore_mem>>) {add = true}
          %dma_wait3A_86 = arith.constant 0 : i32
          %dma_wait3A_87 = tpu.memref_slice %arg7[%add3A_50, %dma_wait3A_86] : memref<40x128xi32, #tpu.memory_space<vmem>> -> memref<1x128xi32, #tpu.memory_space<vmem>>
          %dma_wait3A_88 = tpu.memref_squeeze %dma_wait3A_87 : memref<1x128xi32, #tpu.memory_space<vmem>> -> memref<128xi32, #tpu.memory_space<vmem>>
          %dma_wait3A_89 = arith.constant 0 : i32
          %dma_wait3A_90 = arith.constant 0 : i32
          %dma_wait3A_91 = tpu.memref_slice %arg10[%dma_wait3A_89, %dma_wait3A_90] : memref<10112x128xf32, #tpu.memory_space<vmem_shared>> -> memref<10112x128xf32, #tpu.memory_space<vmem_shared>>
          tpu.wait_indirect_dma semaphore(%run_scoped3A : memref<!tpu.dma_semaphore, #tpu.memory_space<semaphore_mem>>) src(%arg8 : memref<128x128xf32, #tpu.memory_space<vmem>>) dst(%dma_wait3A_91 : memref<10112x128xf32, #tpu.memory_space<vmem_shared>>)
          tpu.yield
        }) : () -> ()
        %dma_start3A_68 = arith.constant 0 : i32
        %dma_start3A_69 = tpu.memref_slice %arg6[%min3A_55, %dma_start3A_68] : memref<40x128xi32, #tpu.memory_space<vmem>> -> memref<1x128xi32, #tpu.memory_space<vmem>>
        %dma_start3A_70 = tpu.memref_squeeze %dma_start3A_69 : memref<1x128xi32, #tpu.memory_space<vmem>> -> memref<128xi32, #tpu.memory_space<vmem>>
        %dma_start3A_71 = arith.constant 0 : i32
        %dma_start3A_72 = arith.constant 0 : i32
        %dma_start3A_73 = tpu.memref_slice %arg2[%dma_start3A_71, %dma_start3A_72] : memref<10000x128xf32, #tpu.memory_space<hbm>> -> memref<10000x128xf32, #tpu.memory_space<hbm>>
        tpu.enqueue_indirect_dma source(%dma_start3A_73 : memref<10000x128xf32, #tpu.memory_space<hbm>>) target(%arg8 : memref<128x128xf32, #tpu.memory_space<vmem>>) offsets(%dma_start3A_70 : memref<128xi32, #tpu.memory_space<vmem>>) semaphore(%arg11 : memref<!tpu.dma_semaphore, #tpu.memory_space<semaphore_mem>>)
        %dma_wait3A_74 = arith.constant 0 : i32
        %dma_wait3A_75 = tpu.memref_slice %arg6[%add3A_52, %dma_wait3A_74] : memref<40x128xi32, #tpu.memory_space<vmem>> -> memref<1x128xi32, #tpu.memory_space<vmem>>
        %dma_wait3A_76 = tpu.memref_squeeze %dma_wait3A_75 : memref<1x128xi32, #tpu.memory_space<vmem>> -> memref<128xi32, #tpu.memory_space<vmem>>
        %dma_wait3A_77 = arith.constant 0 : i32
        %dma_wait3A_78 = arith.constant 0 : i32
        %dma_wait3A_79 = tpu.memref_slice %arg2[%dma_wait3A_77, %dma_wait3A_78] : memref<10000x128xf32, #tpu.memory_space<hbm>> -> memref<10000x128xf32, #tpu.memory_space<hbm>>
        tpu.wait_indirect_dma semaphore(%arg12 : memref<!tpu.dma_semaphore, #tpu.memory_space<semaphore_mem>>) src(%dma_wait3A_79 : memref<10000x128xf32, #tpu.memory_space<hbm>>) dst(%arg9 : memref<128x128xf32, #tpu.memory_space<vmem>>)
        "tpu.region"() ({
          %run_scoped3A = tpu.sem_alloc : memref<!tpu.dma_semaphore, #tpu.memory_space<semaphore_mem>>
          %dma_start3A_80 = arith.constant 0 : i32
          %dma_start3A_81 = tpu.memref_slice %arg7[%add3A_52, %dma_start3A_80] : memref<40x128xi32, #tpu.memory_space<vmem>> -> memref<1x128xi32, #tpu.memory_space<vmem>>
          %dma_start3A_82 = tpu.memref_squeeze %dma_start3A_81 : memref<1x128xi32, #tpu.memory_space<vmem>> -> memref<128xi32, #tpu.memory_space<vmem>>
          %dma_start3A_83 = arith.constant 0 : i32
          %dma_start3A_84 = arith.constant 0 : i32
          %dma_start3A_85 = tpu.memref_slice %arg10[%dma_start3A_83, %dma_start3A_84] : memref<10112x128xf32, #tpu.memory_space<vmem_shared>> -> memref<10112x128xf32, #tpu.memory_space<vmem_shared>>
          tpu.enqueue_indirect_dma source(%arg9 : memref<128x128xf32, #tpu.memory_space<vmem>>) target(%dma_start3A_85 : memref<10112x128xf32, #tpu.memory_space<vmem_shared>>) offsets(%dma_start3A_82 : memref<128xi32, #tpu.memory_space<vmem>>) semaphore(%run_scoped3A : memref<!tpu.dma_semaphore, #tpu.memory_space<semaphore_mem>>) {add = true}
          %dma_wait3A_86 = arith.constant 0 : i32
          %dma_wait3A_87 = tpu.memref_slice %arg7[%add3A_52, %dma_wait3A_86] : memref<40x128xi32, #tpu.memory_space<vmem>> -> memref<1x128xi32, #tpu.memory_space<vmem>>
          %dma_wait3A_88 = tpu.memref_squeeze %dma_wait3A_87 : memref<1x128xi32, #tpu.memory_space<vmem>> -> memref<128xi32, #tpu.memory_space<vmem>>
          %dma_wait3A_89 = arith.constant 0 : i32
          %dma_wait3A_90 = arith.constant 0 : i32
          %dma_wait3A_91 = tpu.memref_slice %arg10[%dma_wait3A_89, %dma_wait3A_90] : memref<10112x128xf32, #tpu.memory_space<vmem_shared>> -> memref<10112x128xf32, #tpu.memory_space<vmem_shared>>
          tpu.wait_indirect_dma semaphore(%run_scoped3A : memref<!tpu.dma_semaphore, #tpu.memory_space<semaphore_mem>>) src(%arg9 : memref<128x128xf32, #tpu.memory_space<vmem>>) dst(%dma_wait3A_91 : memref<10112x128xf32, #tpu.memory_space<vmem_shared>>)
          tpu.yield
        }) : () -> ()
      }
      %scan3A_39 = arith.constant 20 : i32
      %dma_wait3A = arith.constant 39 : i32
      %dma_wait3A_40 = arith.constant 0 : i32
      %dma_wait3A_41 = tpu.memref_slice %arg6[%dma_wait3A, %dma_wait3A_40] : memref<40x128xi32, #tpu.memory_space<vmem>> -> memref<1x128xi32, #tpu.memory_space<vmem>>
      %dma_wait3A_42 = tpu.memref_squeeze %dma_wait3A_41 : memref<1x128xi32, #tpu.memory_space<vmem>> -> memref<128xi32, #tpu.memory_space<vmem>>
      %dma_wait3A_43 = arith.constant 0 : i32
      %dma_wait3A_44 = arith.constant 0 : i32
      %dma_wait3A_45 = tpu.memref_slice %arg2[%dma_wait3A_43, %dma_wait3A_44] : memref<10000x128xf32, #tpu.memory_space<hbm>> -> memref<10000x128xf32, #tpu.memory_space<hbm>>
      tpu.wait_indirect_dma semaphore(%arg11 : memref<!tpu.dma_semaphore, #tpu.memory_space<semaphore_mem>>) src(%dma_wait3A_45 : memref<10000x128xf32, #tpu.memory_space<hbm>>) dst(%arg8 : memref<128x128xf32, #tpu.memory_space<vmem>>)
    }
    %scan3A_18 = arith.constant 2 : i32
    %barrier3A_19 = arith.constant 0 : index
    tpu.barrier barrier_id(%barrier3A_19)
    "tpu.region"() ({
      %run_scoped3A = tpu.sem_alloc : memref<!tpu.dma_semaphore, #tpu.memory_space<semaphore_mem>>
      %dma_start3A = arith.constant 0 : i32
      %dma_start3A_20 = tpu.memref_slice %arg5[%arg0, %mul3A_0, %dma_start3A] : memref<2x10112x128xf32, #tpu.memory_space<hbm>> -> memref<1x632x128xf32, #tpu.memory_space<hbm>>
      %dma_start3A_21 = tpu.memref_squeeze %dma_start3A_20 : memref<1x632x128xf32, #tpu.memory_space<hbm>> -> memref<632x128xf32, #tpu.memory_space<hbm>>
      %dma_start3A_22 = arith.constant 0 : i32
      %dma_start3A_23 = tpu.memref_slice %arg10[%mul3A_0, %dma_start3A_22] : memref<10112x128xf32, #tpu.memory_space<vmem_shared>> -> memref<632x128xf32, #tpu.memory_space<vmem_shared>>
      tpu.enqueue_dma source(%dma_start3A_23 : memref<632x128xf32, #tpu.memory_space<vmem_shared>>) target(%dma_start3A_21 : memref<632x128xf32, #tpu.memory_space<hbm>>) target_semaphore(%run_scoped3A : memref<!tpu.dma_semaphore, #tpu.memory_space<semaphore_mem>>)
      %dma_wait3A = arith.constant 0 : i32
      %dma_wait3A_24 = tpu.memref_slice %arg5[%arg0, %mul3A_0, %dma_wait3A] : memref<2x10112x128xf32, #tpu.memory_space<hbm>> -> memref<1x632x128xf32, #tpu.memory_space<hbm>>
      %dma_wait3A_25 = tpu.memref_squeeze %dma_wait3A_24 : memref<1x632x128xf32, #tpu.memory_space<hbm>> -> memref<632x128xf32, #tpu.memory_space<hbm>>
      %dma_wait3A_26 = arith.constant 0 : i32
      %dma_wait3A_27 = tpu.memref_slice %arg10[%mul3A_0, %dma_wait3A_26] : memref<10112x128xf32, #tpu.memory_space<vmem_shared>> -> memref<632x128xf32, #tpu.memory_space<vmem_shared>>
      tpu.wait_dma2 semaphore(%run_scoped3A : memref<!tpu.dma_semaphore, #tpu.memory_space<semaphore_mem>>) src(%dma_wait3A_27 : memref<632x128xf32, #tpu.memory_space<vmem_shared>>) dst(%dma_wait3A_25 : memref<632x128xf32, #tpu.memory_space<hbm>>)
      tpu.yield
    }) : () -> ()
    return
  }
}

module attributes {stable_mosaic.version = 14 : i64} {
  func.func @_dense1_body(%arg0: i32, %arg1: memref<2x400x128xf32, #tpu.memory_space<vmem>>, %arg2: memref<400x128xf32, #tpu.memory_space<vmem>>, %arg3: memref<400x128xf32, #tpu.memory_space<vmem>>, %arg4: memref<400x16xf32, #tpu.memory_space<vmem>>) attributes {dimension_semantics = [#tpu.dimension_semantics<arbitrary>], iteration_bounds = array<i64: 25>, scalar_prefetch = 0 : i64, scratch_operands = 0 : i64, tpu.core_type = #tpu.core_type<tc>, window_params = [{transform_indices = @transform_0, window_bounds = array<i64: 2, 400, 128>}, {transform_indices = @transform_1, window_bounds = array<i64: 400, 128>}, {transform_indices = @transform_2, window_bounds = array<i64: 400, 128>}, {transform_indices = @transform_3, window_bounds = array<i64: 400, 16>}]} {
    %get3A = arith.constant 0 : index
    %get3A_0 = arith.constant 0 : index
    %get3A_1 = arith.constant 0 : index
    %get3A_2 = vector.load %arg1[%get3A, %get3A_0, %get3A_1] : memref<2x400x128xf32, #tpu.memory_space<vmem>>, vector<1x400x128xf32>
    %get3A_3 = vector.shape_cast %get3A_2 : vector<1x400x128xf32> to vector<400x128xf32>
    %slice3A = vector.extract_strided_slice %get3A_3 {offsets = [0, 0], sizes = [400, 16], strides = [1, 1]} : vector<400x128xf32> to vector<400x16xf32>
    %get3A_4 = arith.constant 1 : index
    %get3A_5 = arith.constant 0 : index
    %get3A_6 = arith.constant 0 : index
    %get3A_7 = vector.load %arg1[%get3A_4, %get3A_5, %get3A_6] : memref<2x400x128xf32, #tpu.memory_space<vmem>>, vector<1x400x128xf32>
    %get3A_8 = vector.shape_cast %get3A_7 : vector<1x400x128xf32> to vector<400x128xf32>
    %slice3A_9 = vector.extract_strided_slice %get3A_8 {offsets = [0, 0], sizes = [400, 16], strides = [1, 1]} : vector<400x128xf32> to vector<400x16xf32>
    %add3A = arith.addf %slice3A, %slice3A_9 : vector<400x16xf32>
    %add3A_10 = arith.constant 1.000000e+00 : f32
    %add3A_11 = vector.broadcast %add3A_10 : f32 to vector<400x16xf32>
    %add3A_12 = arith.addf %add3A, %add3A_11 : vector<400x16xf32>
    %rsqrt3A = math.rsqrt %add3A_12 : vector<400x16xf32>
    %swap3A = arith.constant 0 : index
    %swap3A_13 = arith.constant 0 : index
    %swap3A_14 = vector.load %arg4[%swap3A, %swap3A_13] : memref<400x16xf32, #tpu.memory_space<vmem>>, vector<400x16xf32>
    tpu.vector_store %arg4[%swap3A, %swap3A_13], %rsqrt3A {strides = array<i32>} : memref<400x16xf32, #tpu.memory_space<vmem>>, vector<400x16xf32>,
    %get3A_15 = arith.constant 0 : index
    %get3A_16 = arith.constant 0 : index
    %get3A_17 = vector.load %arg2[%get3A_15, %get3A_16] : memref<400x128xf32, #tpu.memory_space<vmem>>, vector<400x128xf32>
    %slice3A_18 = vector.extract_strided_slice %rsqrt3A {offsets = [0, 0], sizes = [400, 1], strides = [1, 1]} : vector<400x16xf32> to vector<400x1xf32>
    %mul3A = vector.broadcast %slice3A_18 : vector<400x1xf32> to vector<400x128xf32>
    %mul3A_19 = arith.mulf %get3A_17, %mul3A : vector<400x128xf32>
    %swap3A_20 = arith.constant 0 : index
    %swap3A_21 = arith.constant 0 : index
    %swap3A_22 = vector.load %arg3[%swap3A_20, %swap3A_21] : memref<400x128xf32, #tpu.memory_space<vmem>>, vector<400x128xf32>
    tpu.vector_store %arg3[%swap3A_20, %swap3A_21], %mul3A_19 {strides = array<i32>} : memref<400x128xf32, #tpu.memory_space<vmem>>, vector<400x128xf32>,
    return
  }
  func.func @transform_0(%arg0: i32) -> (i32, i32, i32) {
    %c0_i32 = arith.constant 0 : i32
    %c0_i32_0 = arith.constant 0 : i32
    %c0_i32_1 = arith.constant 0 : i32
    return %c0_i32, %arg0, %c0_i32_0 : i32, i32, i32
  }
  func.func @transform_1(%arg0: i32) -> (i32, i32) {
    %c0_i32 = arith.constant 0 : i32
    %c0_i32_0 = arith.constant 0 : i32
    return %arg0, %c0_i32 : i32, i32
  }
  func.func @transform_2(%arg0: i32) -> (i32, i32) {
    %c0_i32 = arith.constant 0 : i32
    %c0_i32_0 = arith.constant 0 : i32
    return %arg0, %c0_i32 : i32, i32
  }
  func.func @transform_3(%arg0: i32) -> (i32, i32) {
    %c0_i32 = arith.constant 0 : i32
    %c0_i32_0 = arith.constant 0 : i32
    return %arg0, %c0_i32 : i32, i32
  }
}

module attributes {stable_mosaic.version = 14 : i64} {
  func.func @_dense2_body(%arg0: i32, %arg1: memref<2x400x128xf32, #tpu.memory_space<vmem>>, %arg2: memref<400x128xf32, #tpu.memory_space<vmem>>, %arg3: memref<400x16xf32, #tpu.memory_space<vmem>>, %arg4: memref<1x256xf32, #tpu.memory_space<vmem>>, %arg5: memref<128x256xf32, #tpu.memory_space<vmem>>, %arg6: memref<256x64xf32, #tpu.memory_space<vmem>>, %arg7: memref<400x64xf32, #tpu.memory_space<vmem>>) attributes {dimension_semantics = [#tpu.dimension_semantics<arbitrary>], iteration_bounds = array<i64: 25>, scalar_prefetch = 0 : i64, scratch_operands = 0 : i64, tpu.core_type = #tpu.core_type<tc>, window_params = [{transform_indices = @transform_0, window_bounds = array<i64: 2, 400, 128>}, {transform_indices = @transform_1, window_bounds = array<i64: 400, 128>}, {transform_indices = @transform_2, window_bounds = array<i64: 400, 16>}, {pipeline_mode = #tpu.pipeline_mode<synchronous>, transform_indices = @transform_3, window_bounds = array<i64: 1, 256>}, {pipeline_mode = #tpu.pipeline_mode<synchronous>, transform_indices = @transform_4, window_bounds = array<i64: 128, 256>}, {pipeline_mode = #tpu.pipeline_mode<synchronous>, transform_indices = @transform_5, window_bounds = array<i64: 256, 64>}, {transform_indices = @transform_6, window_bounds = array<i64: 400, 64>}]} {
    %get3A = arith.constant 0 : index
    %get3A_0 = arith.constant 0 : index
    %get3A_1 = vector.load %arg3[%get3A, %get3A_0] : memref<400x16xf32, #tpu.memory_space<vmem>>, vector<400x16xf32>
    %slice3A = vector.extract_strided_slice %get3A_1 {offsets = [0, 0], sizes = [400, 1], strides = [1, 1]} : vector<400x16xf32> to vector<400x1xf32>
    %get3A_2 = arith.constant 0 : index
    %get3A_3 = arith.constant 0 : index
    %get3A_4 = arith.constant 0 : index
    %get3A_5 = vector.load %arg1[%get3A_2, %get3A_3, %get3A_4] : memref<2x400x128xf32, #tpu.memory_space<vmem>>, vector<1x400x128xf32>
    %get3A_6 = vector.shape_cast %get3A_5 : vector<1x400x128xf32> to vector<400x128xf32>
    %get3A_7 = arith.constant 1 : index
    %get3A_8 = arith.constant 0 : index
    %get3A_9 = arith.constant 0 : index
    %get3A_10 = vector.load %arg1[%get3A_7, %get3A_8, %get3A_9] : memref<2x400x128xf32, #tpu.memory_space<vmem>>, vector<1x400x128xf32>
    %get3A_11 = vector.shape_cast %get3A_10 : vector<1x400x128xf32> to vector<400x128xf32>
    %add3A = arith.addf %get3A_6, %get3A_11 : vector<400x128xf32>
    %get3A_12 = arith.constant 0 : index
    %get3A_13 = arith.constant 0 : index
    %get3A_14 = vector.load %arg2[%get3A_12, %get3A_13] : memref<400x128xf32, #tpu.memory_space<vmem>>, vector<400x128xf32>
    %mul3A = vector.broadcast %slice3A : vector<400x1xf32> to vector<400x128xf32>
    %mul3A_15 = arith.mulf %get3A_14, %mul3A : vector<400x128xf32>
    %add3A_16 = arith.addf %add3A, %mul3A_15 : vector<400x128xf32>
    %get3A_17 = arith.constant 0 : index
    %get3A_18 = arith.constant 0 : index
    %get3A_19 = vector.load %arg5[%get3A_17, %get3A_18] : memref<128x256xf32, #tpu.memory_space<vmem>>, vector<128x256xf32>
    %dot_general3A = arith.constant dense<0.000000e+00> : vector<400x256xf32>
    %dot_general3A_20 = tpu.matmul %add3A_16, %get3A_19, %dot_general3A {dimension_numbers = #tpu.dot_dimension_numbers<[1], [0], [0], [1], [0, 0, 1, 1], [], []>, transpose_lhs_hint = false} : vector<400x128xf32>, vector<128x256xf32>, vector<400x256xf32> -> vector<400x256xf32>
    %mul3A_21 = vector.broadcast %slice3A : vector<400x1xf32> to vector<400x256xf32>
    %mul3A_22 = arith.mulf %mul3A_21, %dot_general3A_20 : vector<400x256xf32>
    %get3A_23 = arith.constant 0 : index
    %get3A_24 = arith.constant 0 : index
    %get3A_25 = vector.load %arg4[%get3A_23, %get3A_24] : memref<1x256xf32, #tpu.memory_space<vmem>>, vector<1x256xf32>
    %add3A_26 = vector.broadcast %get3A_25 : vector<1x256xf32> to vector<400x256xf32>
    %add3A_27 = arith.addf %mul3A_22, %add3A_26 : vector<400x256xf32>
    %max3A = arith.constant 0.000000e+00 : f32
    %max3A_28 = vector.broadcast %max3A : f32 to vector<400x256xf32>
    %max3A_29 = arith.maximumf %add3A_27, %max3A_28 : vector<400x256xf32>
    %get3A_30 = arith.constant 0 : index
    %get3A_31 = arith.constant 0 : index
    %get3A_32 = vector.load %arg6[%get3A_30, %get3A_31] : memref<256x64xf32, #tpu.memory_space<vmem>>, vector<256x64xf32>
    %dot_general3A_33 = arith.constant dense<0.000000e+00> : vector<400x64xf32>
    %dot_general3A_34 = tpu.matmul %max3A_29, %get3A_32, %dot_general3A_33 {dimension_numbers = #tpu.dot_dimension_numbers<[1], [0], [0], [1], [0, 0, 1, 1], [], []>, transpose_lhs_hint = false} : vector<400x256xf32>, vector<256x64xf32>, vector<400x64xf32> -> vector<400x64xf32>
    %mul3A_35 = vector.broadcast %slice3A : vector<400x1xf32> to vector<400x64xf32>
    %mul3A_36 = arith.mulf %dot_general3A_34, %mul3A_35 : vector<400x64xf32>
    %swap3A = arith.constant 0 : index
    %swap3A_37 = arith.constant 0 : index
    %swap3A_38 = vector.load %arg7[%swap3A, %swap3A_37] : memref<400x64xf32, #tpu.memory_space<vmem>>, vector<400x64xf32>
    tpu.vector_store %arg7[%swap3A, %swap3A_37], %mul3A_36 {strides = array<i32>} : memref<400x64xf32, #tpu.memory_space<vmem>>, vector<400x64xf32>,
    return
  }
  func.func @transform_0(%arg0: i32) -> (i32, i32, i32) {
    %c0_i32 = arith.constant 0 : i32
    %c0_i32_0 = arith.constant 0 : i32
    %c0_i32_1 = arith.constant 0 : i32
    return %c0_i32, %arg0, %c0_i32_0 : i32, i32, i32
  }
  func.func @transform_1(%arg0: i32) -> (i32, i32) {
    %c0_i32 = arith.constant 0 : i32
    %c0_i32_0 = arith.constant 0 : i32
    return %arg0, %c0_i32 : i32, i32
  }
  func.func @transform_2(%arg0: i32) -> (i32, i32) {
    %c0_i32 = arith.constant 0 : i32
    %c0_i32_0 = arith.constant 0 : i32
    return %arg0, %c0_i32 : i32, i32
  }
  func.func @transform_3(%arg0: i32) -> (i32, i32) {
    %c0_i32 = arith.constant 0 : i32
    %c0_i32_0 = arith.constant 0 : i32
    %c0_i32_1 = arith.constant 0 : i32
    return %c0_i32, %c0_i32_0 : i32, i32
  }
  func.func @transform_4(%arg0: i32) -> (i32, i32) {
    %c0_i32 = arith.constant 0 : i32
    %c0_i32_0 = arith.constant 0 : i32
    %c0_i32_1 = arith.constant 0 : i32
    return %c0_i32, %c0_i32_0 : i32, i32
  }
  func.func @transform_5(%arg0: i32) -> (i32, i32) {
    %c0_i32 = arith.constant 0 : i32
    %c0_i32_0 = arith.constant 0 : i32
    %c0_i32_1 = arith.constant 0 : i32
    return %c0_i32, %c0_i32_0 : i32, i32
  }
  func.func @transform_6(%arg0: i32) -> (i32, i32) {
    %c0_i32 = arith.constant 0 : i32
    %c0_i32_0 = arith.constant 0 : i32
    return %arg0, %c0_i32 : i32, i32
  }
}

module attributes {stable_mosaic.version = 14 : i64} {
  func.func @_dense3_body(%arg0: i32, %arg1: memref<2x400x128xf32, #tpu.memory_space<vmem>>, %arg2: memref<400x64xf32, #tpu.memory_space<vmem>>, %arg3: memref<400x16xf32, #tpu.memory_space<vmem>>, %arg4: memref<1x64xf32, #tpu.memory_space<vmem>>, %arg5: memref<400x64xf32, #tpu.memory_space<vmem>>) attributes {dimension_semantics = [#tpu.dimension_semantics<arbitrary>], iteration_bounds = array<i64: 25>, scalar_prefetch = 0 : i64, scratch_operands = 0 : i64, tpu.core_type = #tpu.core_type<tc>, window_params = [{transform_indices = @transform_0, window_bounds = array<i64: 2, 400, 128>}, {transform_indices = @transform_1, window_bounds = array<i64: 400, 64>}, {transform_indices = @transform_2, window_bounds = array<i64: 400, 16>}, {pipeline_mode = #tpu.pipeline_mode<synchronous>, transform_indices = @transform_3, window_bounds = array<i64: 1, 64>}, {transform_indices = @transform_4, window_bounds = array<i64: 400, 64>}]} {
    %get3A = arith.constant 0 : index
    %get3A_0 = arith.constant 0 : index
    %get3A_1 = vector.load %arg3[%get3A, %get3A_0] : memref<400x16xf32, #tpu.memory_space<vmem>>, vector<400x16xf32>
    %slice3A = vector.extract_strided_slice %get3A_1 {offsets = [0, 0], sizes = [400, 1], strides = [1, 1]} : vector<400x16xf32> to vector<400x1xf32>
    %get3A_2 = arith.constant 0 : index
    %get3A_3 = arith.constant 0 : index
    %get3A_4 = arith.constant 0 : index
    %get3A_5 = vector.load %arg1[%get3A_2, %get3A_3, %get3A_4] : memref<2x400x128xf32, #tpu.memory_space<vmem>>, vector<1x400x128xf32>
    %get3A_6 = vector.shape_cast %get3A_5 : vector<1x400x128xf32> to vector<400x128xf32>
    %slice3A_7 = vector.extract_strided_slice %get3A_6 {offsets = [0, 0], sizes = [400, 64], strides = [1, 1]} : vector<400x128xf32> to vector<400x64xf32>
    %get3A_8 = arith.constant 1 : index
    %get3A_9 = arith.constant 0 : index
    %get3A_10 = arith.constant 0 : index
    %get3A_11 = vector.load %arg1[%get3A_8, %get3A_9, %get3A_10] : memref<2x400x128xf32, #tpu.memory_space<vmem>>, vector<1x400x128xf32>
    %get3A_12 = vector.shape_cast %get3A_11 : vector<1x400x128xf32> to vector<400x128xf32>
    %slice3A_13 = vector.extract_strided_slice %get3A_12 {offsets = [0, 0], sizes = [400, 64], strides = [1, 1]} : vector<400x128xf32> to vector<400x64xf32>
    %add3A = arith.addf %slice3A_7, %slice3A_13 : vector<400x64xf32>
    %get3A_14 = arith.constant 0 : index
    %get3A_15 = arith.constant 0 : index
    %get3A_16 = vector.load %arg2[%get3A_14, %get3A_15] : memref<400x64xf32, #tpu.memory_space<vmem>>, vector<400x64xf32>
    %add3A_17 = arith.addf %add3A, %get3A_16 : vector<400x64xf32>
    %mul3A = vector.broadcast %slice3A : vector<400x1xf32> to vector<400x64xf32>
    %mul3A_18 = arith.mulf %mul3A, %add3A_17 : vector<400x64xf32>
    %get3A_19 = arith.constant 0 : index
    %get3A_20 = arith.constant 0 : index
    %get3A_21 = vector.load %arg4[%get3A_19, %get3A_20] : memref<1x64xf32, #tpu.memory_space<vmem>>, vector<1x64xf32>
    %add3A_22 = vector.broadcast %get3A_21 : vector<1x64xf32> to vector<400x64xf32>
    %add3A_23 = arith.addf %mul3A_18, %add3A_22 : vector<400x64xf32>
    %max3A = arith.constant 0.000000e+00 : f32
    %max3A_24 = vector.broadcast %max3A : f32 to vector<400x64xf32>
    %max3A_25 = arith.maximumf %add3A_23, %max3A_24 : vector<400x64xf32>
    %swap3A = arith.constant 0 : index
    %swap3A_26 = arith.constant 0 : index
    %swap3A_27 = vector.load %arg5[%swap3A, %swap3A_26] : memref<400x64xf32, #tpu.memory_space<vmem>>, vector<400x64xf32>
    tpu.vector_store %arg5[%swap3A, %swap3A_26], %max3A_25 {strides = array<i32>} : memref<400x64xf32, #tpu.memory_space<vmem>>, vector<400x64xf32>,
    return
  }
  func.func @transform_0(%arg0: i32) -> (i32, i32, i32) {
    %c0_i32 = arith.constant 0 : i32
    %c0_i32_0 = arith.constant 0 : i32
    %c0_i32_1 = arith.constant 0 : i32
    return %c0_i32, %arg0, %c0_i32_0 : i32, i32, i32
  }
  func.func @transform_1(%arg0: i32) -> (i32, i32) {
    %c0_i32 = arith.constant 0 : i32
    %c0_i32_0 = arith.constant 0 : i32
    return %arg0, %c0_i32 : i32, i32
  }
  func.func @transform_2(%arg0: i32) -> (i32, i32) {
    %c0_i32 = arith.constant 0 : i32
    %c0_i32_0 = arith.constant 0 : i32
    return %arg0, %c0_i32 : i32, i32
  }
  func.func @transform_3(%arg0: i32) -> (i32, i32) {
    %c0_i32 = arith.constant 0 : i32
    %c0_i32_0 = arith.constant 0 : i32
    %c0_i32_1 = arith.constant 0 : i32
    return %c0_i32, %c0_i32_0 : i32, i32
  }
  func.func @transform_4(%arg0: i32) -> (i32, i32) {
    %c0_i32 = arith.constant 0 : i32
    %c0_i32_0 = arith.constant 0 : i32
    return %arg0, %c0_i32 : i32, i32
  }
}

</mosaic_0001>

<sc_bundles>
// kernel: kernel.11.cloned.1.call-start
scs
__scs_entry_jumppad:
0x0: {  	(pc) =	sbr.rel $0x88, $3  }
0x1: {  	(tag) =	ssettag $0x0;
	lr =	simm.s32 $0x1  }
0x2: {  	[smem:$0x3F9B] =	sst lr;
	_ =	strace $0xD0000000  }
0x3: {  	_ = 	snop  }
0x4: {  	_ = 	snop  }
0x5: {  	_ = 	snop  }
0x6: {  	_ = 	snop  }
0x7: {  	_ = 	snop  }
__scs_overlays_trampoline_lowered:
0x8: {  	[smem:$0x3FAA] =	sst s0  }
0x9: {  	[smem:$0x3FAB] =	sst s1  }
0xa: {  	[smem:$0x3FAC] =	sst s2  }
0xb: {  	[smem:$0x3FAD] =	sst s3  }
0xc: {  	[smem:$0x3FAE] =	sst s4  }
0xd: {  	[smem:$0x3FAF] =	sst s5  }
0xe: {  	[smem:$0x3FB0] =	sst s6  }
0xf: {  	[smem:$0x3FB1] =	sst s7  }
0x10: {  	[smem:$0x3FB2] =	sst s8  }
0x11: {  	[smem:$0x3FB3] =	sst s9;
	s0 =	simm.s32 @!p0 $0x0  }
0x12: {  	s1 =	sld [smem:$0x3F99];
	s0 =	simm.s32 @p0 $0x1  }
0x13: {  	[smem:$0x3FB4] =	sst s0;
	s0 =	simm.s32 @!p1 $0x0  }
0x14: {  	s2 =	sld [smem:$0x3F98];
	s0 =	simm.s32 @p1 $0x1  }
0x15: {  	[smem:$0x3FB5] =	sst s0;
	s0 =	simm.s32 @!p2 $0x0  }
0x16: {  	s3 =	sld [smem:$0x3FDB];
	s0 =	simm.s32 @p2 $0x1  }
0x17: {  	s4 =	simm.s32 $0x1BF5;
	[smem:$0x3FB7] =	sst s0  }
0x18: {  	s0 =	sld [smem:$0x3F9A];
	_ =	swait.ge [sflag:s4], $0x0  }
0x19: {  	s7 =	sld [smem:$0x3F9B]  }
0x1a: {  	s8 =	sadd.s32 $0xFFFFE003, lr  }
0x1b: {  	s9 =	sadd.s32 $0xFFFFFEF7, lr;
	s5 =	simm.s32 $0xFFFFFFFF;
	p2 =	slt.u32 s8, $0xFFFFF086  }
0x1c: {  	p1 =	slt.u32 s9, $0xF7A;
	s5 =	simm.s32 @!p2 $0x0  }
0x1d: {  	s5 =	simm.s32 @p1 $0x1;
	p0 =	seq.s32 s7, s2  }
0x1e: {  	s7 =	smul.u32 @!p0 $0xF7A, s2;
	p2 =	seq.s32 @!p0 s5, $0x0  }
0x1f: {  	s9 =	smul.u32 $0xF7A, s1;
	s8 =	simm.s32 @!p0 $0x1BF5;
	p2 =	por !p2, p0  }
0x20: {  	[sflag:s8] =	ssyncset.s32 @!p0 $0xFFFFF086;
	s6 =	sadd.s32 @!p0 s3, s7;
	s7 =	simm.s32 @!p0 $0x108  }
0x21: {  	s3 =	sadd.s32 s3, s9;
	s6 =	sadd.s32 @!p0 $0x88, s6;
	s7 =	simm.s32 @p2 $0x1082  }
0x22: {  	[simem:s7], [sflag:s8] =	dma.local @!p0 [hbm:s6], $0xF7A  }
0x23: {  	s9 =	sor.u32 $0xD0000000, s2;
	s6 =	simm.s32 $0x108;
	_ =	swait.ge @!p0 [sflag:s8], $0x0  }
0x24: {  	s3 =	sadd.s32 $0x88, s3;
	s6 =	simm.s32 @!p1 $0x1082;
	[sflag:s4] =	ssyncset.s32 $0xFFFFF086  }
0x25: {  	[simem:s6], [sflag:s4] =	dma.local [hbm:s3], $0xF7A  }
0x26: {  	[smem:$0x3F9B] =	sst s1;
	(tag) =	ssettag s2;
	_ =	strace s9  }
0x27: {  	s1 =	sld [smem:$0x3FAB]  }
0x28: {  	s2 =	sld [smem:$0x3FAC]  }
0x29: {  	s4 =	sld [smem:$0x3FAE]  }
0x2a: {  	p0 =	seq.s32 s5, $0x0;
	s5 =	sld [smem:$0x3FAF]  }
0x2b: {  	s6 =	sld [smem:$0x3FB0]  }
0x2c: {  	s7 =	sld [smem:$0x3FB1]  }
0x2d: {  	s3 =	simm.s32 $0x108;
	s8 =	sld [smem:$0x3FB2]  }
0x2e: {  	s3 =	simm.s32 @!p0 $0x1082;
	s9 =	sld [smem:$0x3FB3]  }
0x2f: {  	lr =	sadd.s32 s0, s3;
	s0 =	sld [smem:$0x3FAA]  }
0x30: {  	s3 =	sld [smem:$0x3FAD]  }
0x31: {  	[smem:$0x3FB6] =	sst s10  }
0x32: {  	s10 =	sld [smem:$0x3FB4];
	_ =	sdelay $0x3  }
0x33: {  	p0 =	seq.s32 s10, $0x1;
	s10 =	sld [smem:$0x3FB6];
	_ =	sdelay $0x3  }
0x34: {  	[smem:$0x3FB6] =	sst s10  }
0x35: {  	s10 =	sld [smem:$0x3FB5];
	_ =	sdelay $0x3  }
0x36: {  	p1 =	seq.s32 s10, $0x1;
	s10 =	sld [smem:$0x3FB6];
	_ =	sdelay $0x3  }
0x37: {  	[smem:$0x3FB6] =	sst s10  }
0x38: {  	s10 =	sld [smem:$0x3FB7]  }
0x39: {  	_ = 	snop;
	(pc) =	sbr.ind lr, $3  }
0x3a: {  	_ = 	snop  }
0x3b: {  	_ = 	snop  }
0x3c: {  	p2 =	seq.s32 s10, $0x1;
	s10 =	sld [smem:$0x3FB6]  }
0x3d: {  	_ =	shalt  }
0x3e: {  	_ =	shalt  }
0x3f: {  	_ =	shalt  }
0x40: {  	_ =	shalt  }
0x41: {  	_ =	shalt  }
0x42: {  	_ =	shalt  }
0x43: {  	_ =	shalt  }
0x44: {  	_ =	shalt  }
0x45: {  	_ =	shalt  }
0x46: {  	_ =	shalt  }
0x47: {  	_ =	shalt  }
0x48: {  	_ =	shalt  }
0x49: {  	_ =	shalt  }
0x4a: {  	_ =	shalt  }
0x4b: {  	_ =	shalt  }
0x4c: {  	_ =	shalt  }
0x4d: {  	_ =	shalt  }
0x4e: {  	_ =	shalt  }
0x4f: {  	_ =	shalt  }
0x50: {  	_ =	shalt  }
0x51: {  	_ =	shalt  }
0x52: {  	_ =	shalt  }
0x53: {  	_ =	shalt  }
0x54: {  	_ =	shalt  }
0x55: {  	_ =	shalt  }
0x56: {  	_ =	shalt  }
0x57: {  	_ =	shalt  }
0x58: {  	_ =	shalt  }
0x59: {  	_ =	shalt  }
0x5a: {  	_ =	shalt  }
0x5b: {  	_ =	shalt  }
0x5c: {  	_ =	shalt  }
0x5d: {  	_ =	shalt  }
0x5e: {  	_ =	shalt  }
0x5f: {  	_ =	shalt  }
0x60: {  	_ =	shalt  }
0x61: {  	_ =	shalt  }
0x62: {  	_ =	shalt  }
0x63: {  	_ =	shalt  }
0x64: {  	_ =	shalt  }
0x65: {  	_ =	shalt  }
0x66: {  	_ =	shalt  }
0x67: {  	_ =	shalt  }
0x68: {  	_ =	shalt  }
0x69: {  	_ =	shalt  }
0x6a: {  	_ =	shalt  }
0x6b: {  	_ =	shalt  }
0x6c: {  	_ =	shalt  }
0x6d: {  	_ =	shalt  }
0x6e: {  	_ =	shalt  }
0x6f: {  	_ =	shalt  }
0x70: {  	_ =	shalt  }
0x71: {  	_ =	shalt  }
0x72: {  	_ =	shalt  }
0x73: {  	_ =	shalt  }
0x74: {  	_ =	shalt  }
0x75: {  	_ =	shalt  }
0x76: {  	_ =	shalt  }
0x77: {  	_ =	shalt  }
0x78: {  	_ =	shalt  }
0x79: {  	_ =	shalt  }
0x7a: {  	_ =	shalt  }
0x7b: {  	_ =	shalt  }
0x7c: {  	_ =	shalt  }
0x7d: {  	_ =	shalt  }
0x7e: {  	_ =	shalt  }
0x7f: {  	_ =	shalt  }
0x80: {  	_ =	shalt  }
0x81: {  	_ =	shalt  }
0x82: {  	_ =	shalt  }
0x83: {  	_ =	shalt  }
0x84: {  	_ =	shalt  }
0x85: {  	_ =	shalt  }
0x86: {  	_ =	shalt  }
0x87: {  	_ =	shalt  }
.Lfunc_end0:
.L_simem_size_0:
called_computation.1_lowered:
.L_overlay_start_0:
0x88: {  	s2 =	sld [smem:$0x3FD9]  }
0x89: {  	s3 =	sld [smem:$0x3FFE];
	_ =	sdelay $0x1  }
0x8a: {  	s1 =	srdreg.scid  }
0x8b: {  	s0 =	sand.u32 $0x1, s1  }
0x8c: {  	s17 =	sshll.u32 s0, $0xA;
	s2 =	sadd.s32 s3, s2  }
0x8d: {  	s2 =	sadd.s32 s2, s17  }
0x8e: {  	[smem:$0x3FC2] =	sst s2  }
0x8f: {  	_ = 	snop  }
0x90: {  	s2 =	sld [smem:$0x3FD0];
	(tm) =	ssettm $0x1  }
0x91: {  	s18 =	sld [smem:$0x3FFB];
	_ =	sdelay $0x3  }
0x92: {  	_ =	strace s18  }
0x93: {  	s3 =	sld [smem:$0x3FFC];
	_ =	sdelay $0x3  }
0x94: {  	_ =	strace s3  }
0x95: {  	s3 =	sld [smem:$0x3FFD];
	_ =	sdelay $0x3  }
0x96: {  	_ =	strace s3  }
0x97: {  	_ =	strace $0x8FFFFFFF  }
0x98: {  	s19 =	sld [smem:$0x3FDB];
	_ =	sdelay $0x1  }
0x99: {  	s4 =	simm.s32 $_scs_section_size  }
0x9a: {  	s5 =	simm.s32 $_size__tile_overlayer_lowered;
	s6 =	simm.s32 $_tile_overlayer_lowered  }
0x9b: {  	s22 =	simm.s32 $0x1BFF;
	s21 =	sshll.u32 s6, $0x1;
	s3 =	sadd.s32 s4, s19  }
0x9c: {  	s7 =	simm.s32 $0x0;
	s20 =	sshll.u32 s5, $0x1;
	s5 =	sadd.s32 s21, s3  }
0x9d: {  	[timem:s7], [sflag:s22] =	dma.local [hbm:s5], s20  }
0x9e: {  	_ =	swait.ge [sflag:s22], s20  }
0x9f: {  	s4 =	ssub.s32 $0x0, s20;
	[sflag:s22] =	ssyncset.done $0x0  }
0xa0: {  	[sflag:s22] =	ssyncadd.s32 s4;
	_ =	sdelay $0x1  }
0xa1: {  	s23 =	simm.s32 $0x1B8B  }
0xa2: {  	_ =	swait.ge [sflag:s23], $0x1  }
0xa3: {  	[sflag:s23] =	ssyncset.done $0x0  }
0xa4: {  	s25 =	simm.s32 $0x1B8E;
	s24 =	sld [smem:$0x3FFE];
	[sflag:s23] =	ssyncadd.s32 $0xFFFFFFFF  }
0xa5: {  	s26 =	simm.s32 $execute0_lowered;
	[smem:$0x3FD2] =	sst s25  }
0xa6: {  	s5 =	sshll.u32 s26, $0x1;
	_ =	strace $0x80000049;
	[dreg:$0x1] =	wrdreg $0xFFFFFFFF  }
0xa7: {  	s28 =	simm.s32 $_size_execute0_lowered;
	s3 =	sadd.s32 s3, s5;
	[dreg:$0x0] =	wrdreg $0x0  }
0xa8: {  	s5 =	sshll.u32 s28, $0x1;
	[dreg:$0x2] =	wrdreg s3  }
0xa9: {  	[dreg:$0x3] =	wrdreg s5  }
0xaa: {  	[dreg:$0x4] =	wrdreg $0xC0  }
0xab: {  	_ =	task [dreg:s7], $0x5FFFF  }
0xac: {  	[dreg:$0x1] =	wrdreg $0xFFFFFFFF  }
0xad: {  	[dreg:$0x0] =	wrdreg $0x60  }
0xae: {  	[dreg:$0x2] =	wrdreg s24  }
0xaf: {  	[dreg:$0x3] =	wrdreg s2  }
0xb0: {  	[dreg:$0x4] =	wrdreg $0xA8000  }
0xb1: {  	[dreg:$0x5] =	wrdreg $0x9  }
0xb2: {  	_ =	task.clear_ibuf [dreg:s7], $0x6FFFF;
	_ =	strace $0x90000049  }
0xb3: {  	s29 =	simm.s32 $0x9;
	_ =	strace $0x8000004B  }
0xb4: {  	_ =	swait.ge [sflag:s29], $0x1  }
0xb5: {  	[sflag:s29] =	ssyncadd.s32 $0xFFFFFFFF  }
0xb6: {  	_ =	strace $0x9000004B  }
0xb7: {  	_ =	sfence  }
0xb8: {  	s30 =	sld [smem:$0x0];
	_ =	sdelay $0x2  }
0xb9: {  	s31 =	sshll.u32 s1, $0xD;
	s1 =	sshrl.u32 s1, $0x2  }
0xba: {  	s3 =	sand.u32 $0x4000, s31;
	s1 =	sadd.s32 s1, s30  }
0xbb: {  	s0 =	sor.u32 s3, s0;
	s1 =	sshll.u32 s1, $0x11  }
0xbc: {  	s0 =	sor.u32 s1, s0  }
0xbd: {  	s0 =	sadd.s32 $0x8F2B, s0  }
0xbe: {  	[sflag:s0] =	ssyncadd.remote.s32 $0x1  }
0xbf: {  	_ =	sfence.sel $0xFFFF  }
0xc0: {  	[dreg:$0x0] =	wrdreg $0xFFFFFFFF;
	(pc) =	sbr.abs _section_cstart, $3  }
0xc1: {  	[dreg:$0x1] =	wrdreg $0xFFFFFFFF  }
0xc2: {  	_ =	task.clear_ibuf [dreg:s7], $0x2FFFF;
	_ =	strace $0x9FFFFFFF  }
0xc3: {  	(tm) =	ssettm $0x7FFFFFFF  }
tec
execute0_lowered:
.L_overlay_start_1:
0x0: {  	(tag) =	ssettag $0x1  }
0x1: {  	s5 =	rddreg [dreg:$0x0]  }
0x2: {  	s15 =	rddreg [dreg:$0x1]  }
0x3: {  	s2 =	rddreg [dreg:$0x2]  }
0x4: {  	s0 =	srdreg.scid;
	s1 =	rddreg [dreg:$0x3];
	s3 =	simm.s32 $0x0  }
0x5: {  	s17 =	simm.s32 $0x3;
	s18 =	simm.s32 $0x1400;
	s19 =	simm.s32 $0x80  }
0x6: {  	s20 =	simm.s32 $0x6800;
	s21 =	simm.s32 $0x1;
	s6 =	sand.u32 $0x1, s0  }
0x7: {  	s22 =	simm.s32 $0x2;
	s0 =	stileid.u32;
	s4 =	smul.u32 $0x13C000, s6  }
0x8: {  	s23 =	simm.s32 $0x1380;
	s24 =	simm.s32 $0x2700;
	s7 =	smul.u32 $0x13C00, s0  }
0x9: {  	s25 =	simm.s32 $0x2780;
	[smem:$0x7FF] =	sst s3;
	s8 =	smul.u32 $0x4F000, s0  }
0xa: {  	s14 =	sadd.s32 $0x1A00, s5;
	s29 =	ssub.s32 $0x2, s6;
	s11 =	smul.u32 $0x28000, s6  }
0xb: {  	_ =	strace $0x8000004A;
	s12 =	smul.u32 $0x2800, s0;
	s31 =	sshrl.u32 s29, $0x1  }
0xc: {  	s4 =	sadd.s32 s7, s4;
	s30 =	sshrl.u32 s8, $0x2;
	s13 =	ssub.s32 s29, s31  }
0xd: {  	s12 =	sadd.s32 s12, s11;
	s7 =	sshrl.u32 s4, $0x3;
	s4 =	sadd.s32 $0xBA00, s5  }
0xe: {  	s11 =	smax.u32 s13, $0x1;
	s16 =	sshrl.u32 s12, $0x3;
	s10 =	sadd.s32 s7, s5  }
0xf: {  	s5 =	sadd.s32 s30, s2;
	s12 =	sadd.s32 s14, s16;
	s13 =	sadd.s32 s15, s16  }
0x10: {  	s16 =	sadd.s32 $0x280, s16;
	s6 =	sadd.s32 $0x4000, s5;
	s7 =	sadd.s32 $0x8000, s5  }
0x11: {  	s8 =	sadd.s32 $0xC000, s5;
	s9 =	sadd.s32 $0x10000, s5;
	s10 =	sadd.s32 $0x32C00, s10  }
0x12: {  	v0 =	vimm.f32 $0.0e+00;
	s14 =	sadd.s32 s14, s16;
	s15 =	sadd.s32 s15, s16;
	s16 =	simm.s32 $0x2800  }
.LBB2_1:
0x13: {  	s26 =	simm.s32 $0x0;
	s28 =	simm.s32 $0x200  }
.LBB2_2:
0x14: {  	p0 =	sne.s32 s28, $0xFE00;
	[tilespmem:s26+$0x2870] =	vst v0  }
0x15: {  	[tilespmem:s26+$0x2800] =	vst v0  }
0x16: {  	[tilespmem:s26+$0x2810] =	vst v0  }
.Ltmp0:
0x17: {  	[tilespmem:s26+$0x2820] =	vst v0;
	(pc) =	sbr.rel @p0 .LBB2_2-.Ltmp0, $4  }
0x18: {  	[tilespmem:s26+$0x2830] =	vst v0  }
0x19: {  	[tilespmem:s26+$0x2840] =	vst v0  }
0x1a: {  	[tilespmem:s26+$0x2850] =	vst v0  }
0x1b: {  	[tilespmem:s26+$0x2860] =	vst v0;
	s26 =	sshra.s32 s28, $0x2;
	s28 =	sadd.s32 $0x200, s28  }
0x1c: {  	[tilespmem:s26+$0x2870] =	vst v0  }
0x1d: {  	[tilespmem:s26+$0x2800] =	vst v0  }
0x1e: {  	[tilespmem:s26+$0x2810] =	vst v0  }
0x1f: {  	[tilespmem:s26+$0x2820] =	vst v0  }
0x20: {  	[tilespmem:s26+$0x2830] =	vst v0  }
0x21: {  	[tilespmem:s26+$0x2840] =	vst v0  }
0x22: {  	[tilespmem:s26+$0x2850] =	vst v0  }
0x23: {  	[tilespmem:s26+$0x2860] =	vst v0  }
0x24: {  	[spmem:s5] =	stream.linear.scatter [tilespmem:s16], [sflag:$0x3], $0x4000, $0x38;
	[tilespmem:$0x1E400] =	vst v63  }
0x25: {  	_ =	swait.ge [sflag:s17], $0x4000  }
0x26: {  	[sflag:s17] =	ssyncset.done $0x0  }
0x27: {  	[sflag:s17] =	ssyncadd.s32 $0xFFFFC000  }
0x28: {  	[spmem:s6] =	stream.linear.scatter [tilespmem:s16], [sflag:$0x3], $0x4000, $0x38;
	[tilespmem:$0x1E400] =	vst v63  }
0x29: {  	_ =	swait.ge [sflag:s17], $0x4000  }
0x2a: {  	[sflag:s17] =	ssyncset.done $0x0  }
0x2b: {  	[sflag:s17] =	ssyncadd.s32 $0xFFFFC000  }
0x2c: {  	[spmem:s7] =	stream.linear.scatter [tilespmem:s16], [sflag:$0x3], $0x4000, $0x38;
	[tilespmem:$0x1E400] =	vst v63  }
0x2d: {  	_ =	swait.ge [sflag:s17], $0x4000  }
0x2e: {  	[sflag:s17] =	ssyncset.done $0x0  }
0x2f: {  	[sflag:s17] =	ssyncadd.s32 $0xFFFFC000  }
0x30: {  	[spmem:s8] =	stream.linear.scatter [tilespmem:s16], [sflag:$0x3], $0x4000, $0x38;
	[tilespmem:$0x1E400] =	vst v63  }
0x31: {  	_ =	swait.ge [sflag:s17], $0x4000  }
0x32: {  	[sflag:s17] =	ssyncset.done $0x0  }
0x33: {  	[sflag:s17] =	ssyncadd.s32 $0xFFFFC000  }
0x34: {  	[spmem:s9] =	stream.linear.scatter [tilespmem:s16], [sflag:$0x3], $0x3C00, $0x38;
	[tilespmem:$0x1E400] =	vst v63  }
0x35: {  	_ =	swait.ge [sflag:s17], $0x3C00  }
0x36: {  	[sflag:s17] =	ssyncset.done $0x0  }
0x37: {  	[sflag:s17] =	ssyncadd.s32 $0xFFFFC400  }
0x38: {  	s30 =	simm.s32 $0x0;
	[bflag:$0x0] =	sbarrier.arrive $0xFFFF  }
0x39: {  	[tilespmem:s30], [sflag:$0x3] =	stream.linear.gather [hbm4b:s12+s30], $0x1400, $0x38;
	[tilespmem:$0x1E400] =	vst v63  }
0x3a: {  	_ =	swait.ge [sflag:s17], $0x1400  }
0x3b: {  	[sflag:s17] =	ssyncset.done $0x0  }
0x3c: {  	[sflag:s17] =	ssyncadd.s32 $0xFFFFEC00  }
0x3d: {  	[tilespmem:s18], [sflag:$0x3] =	stream.linear.gather [hbm4b:s13+s30], $0x1400, $0x38;
	[tilespmem:$0x1E400] =	vst v63  }
0x3e: {  	_ =	swait.ge [sflag:s17], $0x1400  }
0x3f: {  	[sflag:s17] =	ssyncset.done $0x0  }
0x40: {  	[sflag:s17] =	ssyncadd.s32 $0xFFFFEC00  }
0x41: {  	[tilespmem:s16], [sflag:$0x1] =	stream.indirect.gather [hbm4b:s4+s19], $0x80, s30, s19, $0xb8;
	[tilespmem:$0x1E400] =	vst v63  }
0x42: {  	s31 =	simm.s32 $0x80  }
0x43: {  	[tilespmem:s20], [sflag:$0x2] =	stream.indirect.gather [hbm4b:s4+s19], $0x80, s31, s19, $0xb8;
	[tilespmem:$0x1E400] =	vst v63  }
0x44: {  	_ =	swait.ge [sflag:s21], $0x4000  }
0x45: {  	[sflag:s21] =	ssyncset.done $0x0  }
0x46: {  	s29 =	simm.s32 $0x1400;
	[sflag:s21] =	ssyncadd.s32 $0xFFFFC000  }
0x47: {  	[spmem:s2] =	stream.indirect.scatter.add.f32 [tilespmem:s16], [sflag:$0x3], $0x80, s29, s19, $0xb8;
	[tilespmem:$0x1E400] =	vst v63  }
0x48: {  	_ =	swait.ge [sflag:s17], $0x4000  }
0x49: {  	[sflag:s17] =	ssyncset.done $0x0  }
0x4a: {  	s30 =	simm.s32 $0x100;
	[sflag:s17] =	ssyncadd.s32 $0xFFFFC000  }
0x4b: {  	[tilespmem:s16], [sflag:$0x1] =	stream.indirect.gather [hbm4b:s4+s19], $0x80, s30, s19, $0xb8;
	[tilespmem:$0x1E400] =	vst v63  }
0x4c: {  	_ =	swait.ge [sflag:s22], $0x4000  }
0x4d: {  	[sflag:s22] =	ssyncset.done $0x0  }
0x4e: {  	s31 =	simm.s32 $0x1480;
	[sflag:s22] =	ssyncadd.s32 $0xFFFFC000  }
0x4f: {  	[spmem:s2] =	stream.indirect.scatter.add.f32 [tilespmem:s20], [sflag:$0x3], $0x80, s31, s19, $0xb8;
	[tilespmem:$0x1E400] =	vst v63  }
0x50: {  	_ =	swait.ge [sflag:s17], $0x4000  }
0x51: {  	s28 =	simm.s32 $0x800;
	s26 =	simm.s32 $0x100;
	[sflag:s17] =	ssyncset.done $0x0  }
.LBB2_4:
0x52: {  	s29 =	sadd.s32 $0x80, s26  }
0x53: {  	[sflag:s17] =	ssyncadd.s32 $0xFFFFC000;
	s30 =	smov.u32 s28;
	s31 =	sadd.s32 $0x400, s28  }
0x54: {  	[tilespmem:s20], [sflag:$0x2] =	stream.indirect.gather [hbm4b:s4+s19], $0x80, s29, s19, $0xb8;
	[tilespmem:$0x1E400] =	vst v63  }
0x55: {  	p0 =	sne.s32 s28, $0x4800;
	_ =	swait.ge [sflag:s21], $0x4000  }
0x56: {  	[sflag:s21] =	ssyncset.done $0x0  }
0x57: {  	s28 =	sadd.s32 $0x1400, s26;
	[sflag:s21] =	ssyncadd.s32 $0xFFFFC000  }
0x58: {  	[spmem:s2] =	stream.indirect.scatter.add.f32 [tilespmem:s16], [sflag:$0x3], $0x80, s28, s19, $0xb8;
	[tilespmem:$0x1E400] =	vst v63  }
0x59: {  	_ =	swait.ge [sflag:s17], $0x4000  }
0x5a: {  	[sflag:s17] =	ssyncset.done $0x0  }
0x5b: {  	s28 =	sadd.s32 $0x100, s26;
	[sflag:s17] =	ssyncadd.s32 $0xFFFFC000  }
0x5c: {  	[tilespmem:s16], [sflag:$0x1] =	stream.indirect.gather [hbm4b:s4+s19], $0x80, s28, s19, $0xb8;
	[tilespmem:$0x1E400] =	vst v63  }
0x5d: {  	_ =	swait.ge [sflag:s22], $0x4000  }
.Ltmp1:
0x5e: {  	[sflag:s22] =	ssyncset.done $0x0;
	(pc) =	sbr.rel @p0 .LBB2_4-.Ltmp1, $4  }
0x5f: {  	s26 =	sadd.s32 $0x1480, s26;
	[sflag:s22] =	ssyncadd.s32 $0xFFFFC000  }
0x60: {  	[spmem:s2] =	stream.indirect.scatter.add.f32 [tilespmem:s20], [sflag:$0x3], $0x80, s26, s19, $0xb8;
	[tilespmem:$0x1E400] =	vst v63  }
0x61: {  	_ =	swait.ge [sflag:s17], $0x4000  }
0x62: {  	s28 =	smov.u32 s31;
	s26 =	sshra.s32 s30, $0x2;
	[sflag:s17] =	ssyncset.done $0x0  }
0x63: {  	s28 =	sadd.s32 $0x80, s26;
	[sflag:s17] =	ssyncadd.s32 $0xFFFFC000  }
0x64: {  	[tilespmem:s20], [sflag:$0x2] =	stream.indirect.gather [hbm4b:s4+s19], $0x80, s28, s19, $0xb8;
	[tilespmem:$0x1E400] =	vst v63  }
0x65: {  	_ =	swait.ge [sflag:s21], $0x4000  }
0x66: {  	[sflag:s21] =	ssyncset.done $0x0  }
0x67: {  	s28 =	sadd.s32 $0x1400, s26;
	[sflag:s21] =	ssyncadd.s32 $0xFFFFC000  }
0x68: {  	[spmem:s2] =	stream.indirect.scatter.add.f32 [tilespmem:s16], [sflag:$0x3], $0x80, s28, s19, $0xb8;
	[tilespmem:$0x1E400] =	vst v63  }
0x69: {  	_ =	swait.ge [sflag:s17], $0x4000  }
0x6a: {  	[sflag:s17] =	ssyncset.done $0x0  }
0x6b: {  	s28 =	sadd.s32 $0x100, s26;
	[sflag:s17] =	ssyncadd.s32 $0xFFFFC000  }
0x6c: {  	[tilespmem:s16], [sflag:$0x1] =	stream.indirect.gather [hbm4b:s4+s19], $0x80, s28, s19, $0xb8;
	[tilespmem:$0x1E400] =	vst v63  }
0x6d: {  	_ =	swait.ge [sflag:s22], $0x4000  }
0x6e: {  	[sflag:s22] =	ssyncset.done $0x0  }
0x6f: {  	s29 =	sadd.s32 $0x1480, s26;
	[sflag:s22] =	ssyncadd.s32 $0xFFFFC000  }
0x70: {  	[spmem:s2] =	stream.indirect.scatter.add.f32 [tilespmem:s20], [sflag:$0x3], $0x80, s29, s19, $0xb8;
	[tilespmem:$0x1E400] =	vst v63  }
0x71: {  	_ =	swait.ge [sflag:s17], $0x4000  }
0x72: {  	[sflag:s17] =	ssyncset.done $0x0  }
0x73: {  	[sflag:s17] =	ssyncadd.s32 $0xFFFFC000  }
0x74: {  	[tilespmem:s20], [sflag:$0x2] =	stream.indirect.gather [hbm4b:s4+s19], $0x80, s23, s19, $0xb8;
	[tilespmem:$0x1E400] =	vst v63  }
0x75: {  	_ =	swait.ge [sflag:s21], $0x4000  }
0x76: {  	[sflag:s21] =	ssyncset.done $0x0  }
0x77: {  	[sflag:s21] =	ssyncadd.s32 $0xFFFFC000  }
0x78: {  	[spmem:s2] =	stream.indirect.scatter.add.f32 [tilespmem:s16], [sflag:$0x3], $0x80, s24, s19, $0xb8;
	[tilespmem:$0x1E400] =	vst v63  }
0x79: {  	_ =	swait.ge [sflag:s17], $0x4000  }
0x7a: {  	[sflag:s17] =	ssyncset.done $0x0  }
0x7b: {  	[sflag:s17] =	ssyncadd.s32 $0xFFFFC000  }
0x7c: {  	[tilespmem:s16], [sflag:$0x1] =	stream.indirect.gather [hbm4b:s4+s19], $0x80, s23, s19, $0xb8;
	[tilespmem:$0x1E400] =	vst v63  }
0x7d: {  	_ =	swait.ge [sflag:s22], $0x4000  }
0x7e: {  	[sflag:s22] =	ssyncset.done $0x0  }
0x7f: {  	[sflag:s22] =	ssyncadd.s32 $0xFFFFC000  }
0x80: {  	[spmem:s2] =	stream.indirect.scatter.add.f32 [tilespmem:s20], [sflag:$0x3], $0x80, s25, s19, $0xb8;
	[tilespmem:$0x1E400] =	vst v63  }
0x81: {  	_ =	swait.ge [sflag:s17], $0x4000  }
0x82: {  	[sflag:s17] =	ssyncset.done $0x0  }
0x83: {  	[sflag:s17] =	ssyncadd.s32 $0xFFFFC000  }
0x84: {  	_ =	swait.ge [sflag:s21], $0x4000  }
0x85: {  	[sflag:s21] =	ssyncset.done $0x0  }
0x86: {  	s30 =	simm.s32 $0x0;
	[sflag:s21] =	ssyncadd.s32 $0xFFFFC000  }
0x87: {  	[tilespmem:s30], [sflag:$0x3] =	stream.linear.gather [hbm4b:s14+s30], $0x1400, $0x38;
	[tilespmem:$0x1E400] =	vst v63  }
0x88: {  	_ =	swait.ge [sflag:s17], $0x1400  }
0x89: {  	[sflag:s17] =	ssyncset.done $0x0  }
0x8a: {  	[sflag:s17] =	ssyncadd.s32 $0xFFFFEC00  }
0x8b: {  	[tilespmem:s18], [sflag:$0x3] =	stream.linear.gather [hbm4b:s15+s30], $0x1400, $0x38;
	[tilespmem:$0x1E400] =	vst v63  }
0x8c: {  	_ =	swait.ge [sflag:s17], $0x1400  }
0x8d: {  	[sflag:s17] =	ssyncset.done $0x0  }
0x8e: {  	[sflag:s17] =	ssyncadd.s32 $0xFFFFEC00  }
0x8f: {  	[tilespmem:s16], [sflag:$0x1] =	stream.indirect.gather [hbm4b:s4+s19], $0x80, s30, s19, $0xb8;
	[tilespmem:$0x1E400] =	vst v63  }
0x90: {  	s31 =	simm.s32 $0x80  }
0x91: {  	[tilespmem:s20], [sflag:$0x2] =	stream.indirect.gather [hbm4b:s4+s19], $0x80, s31, s19, $0xb8;
	[tilespmem:$0x1E400] =	vst v63  }
0x92: {  	_ =	swait.ge [sflag:s21], $0x4000  }
0x93: {  	[sflag:s21] =	ssyncset.done $0x0  }
0x94: {  	s29 =	simm.s32 $0x1400;
	[sflag:s21] =	ssyncadd.s32 $0xFFFFC000  }
0x95: {  	[spmem:s2] =	stream.indirect.scatter.add.f32 [tilespmem:s16], [sflag:$0x3], $0x80, s29, s19, $0xb8;
	[tilespmem:$0x1E400] =	vst v63  }
0x96: {  	_ =	swait.ge [sflag:s17], $0x4000  }
0x97: {  	[sflag:s17] =	ssyncset.done $0x0  }
0x98: {  	s30 =	simm.s32 $0x100;
	[sflag:s17] =	ssyncadd.s32 $0xFFFFC000  }
0x99: {  	[tilespmem:s16], [sflag:$0x1] =	stream.indirect.gather [hbm4b:s4+s19], $0x80, s30, s19, $0xb8;
	[tilespmem:$0x1E400] =	vst v63  }
0x9a: {  	_ =	swait.ge [sflag:s22], $0x4000  }
0x9b: {  	[sflag:s22] =	ssyncset.done $0x0  }
0x9c: {  	s31 =	simm.s32 $0x1480;
	[sflag:s22] =	ssyncadd.s32 $0xFFFFC000  }
0x9d: {  	[spmem:s2] =	stream.indirect.scatter.add.f32 [tilespmem:s20], [sflag:$0x3], $0x80, s31, s19, $0xb8;
	[tilespmem:$0x1E400] =	vst v63  }
0x9e: {  	_ =	swait.ge [sflag:s17], $0x4000  }
0x9f: {  	s26 =	simm.s32 $0x100;
	s28 =	simm.s32 $0x800;
	[sflag:s17] =	ssyncset.done $0x0  }
.LBB2_6:
0xa0: {  	s29 =	sadd.s32 $0x80, s26  }
0xa1: {  	[sflag:s17] =	ssyncadd.s32 $0xFFFFC000;
	s30 =	smov.u32 s28;
	s31 =	sadd.s32 $0x400, s28  }
0xa2: {  	[tilespmem:s20], [sflag:$0x2] =	stream.indirect.gather [hbm4b:s4+s19], $0x80, s29, s19, $0xb8;
	[tilespmem:$0x1E400] =	vst v63  }
0xa3: {  	p0 =	sne.s32 s28, $0x4800;
	_ =	swait.ge [sflag:s21], $0x4000  }
0xa4: {  	[sflag:s21] =	ssyncset.done $0x0  }
0xa5: {  	s28 =	sadd.s32 $0x1400, s26;
	[sflag:s21] =	ssyncadd.s32 $0xFFFFC000  }
0xa6: {  	[spmem:s2] =	stream.indirect.scatter.add.f32 [tilespmem:s16], [sflag:$0x3], $0x80, s28, s19, $0xb8;
	[tilespmem:$0x1E400] =	vst v63  }
0xa7: {  	_ =	swait.ge [sflag:s17], $0x4000  }
0xa8: {  	[sflag:s17] =	ssyncset.done $0x0  }
0xa9: {  	s28 =	sadd.s32 $0x100, s26;
	[sflag:s17] =	ssyncadd.s32 $0xFFFFC000  }
0xaa: {  	[tilespmem:s16], [sflag:$0x1] =	stream.indirect.gather [hbm4b:s4+s19], $0x80, s28, s19, $0xb8;
	[tilespmem:$0x1E400] =	vst v63  }
0xab: {  	_ =	swait.ge [sflag:s22], $0x4000  }
.Ltmp2:
0xac: {  	[sflag:s22] =	ssyncset.done $0x0;
	(pc) =	sbr.rel @p0 .LBB2_6-.Ltmp2, $4  }
0xad: {  	s26 =	sadd.s32 $0x1480, s26;
	[sflag:s22] =	ssyncadd.s32 $0xFFFFC000  }
0xae: {  	[spmem:s2] =	stream.indirect.scatter.add.f32 [tilespmem:s20], [sflag:$0x3], $0x80, s26, s19, $0xb8;
	[tilespmem:$0x1E400] =	vst v63  }
0xaf: {  	_ =	swait.ge [sflag:s17], $0x4000  }
0xb0: {  	s28 =	smov.u32 s31;
	s26 =	sshra.s32 s30, $0x2;
	[sflag:s17] =	ssyncset.done $0x0  }
0xb1: {  	s28 =	sadd.s32 $0x80, s26;
	[sflag:s17] =	ssyncadd.s32 $0xFFFFC000  }
0xb2: {  	[tilespmem:s20], [sflag:$0x2] =	stream.indirect.gather [hbm4b:s4+s19], $0x80, s28, s19, $0xb8;
	[tilespmem:$0x1E400] =	vst v63  }
0xb3: {  	_ =	swait.ge [sflag:s21], $0x4000  }
0xb4: {  	[sflag:s21] =	ssyncset.done $0x0  }
0xb5: {  	s30 =	sadd.s32 $0x1400, s26;
	[sflag:s21] =	ssyncadd.s32 $0xFFFFC000  }
0xb6: {  	[spmem:s2] =	stream.indirect.scatter.add.f32 [tilespmem:s16], [sflag:$0x3], $0x80, s30, s19, $0xb8;
	[tilespmem:$0x1E400] =	vst v63  }
0xb7: {  	_ =	swait.ge [sflag:s17], $0x4000  }
0xb8: {  	[sflag:s17] =	ssyncset.done $0x0  }
0xb9: {  	s31 =	sadd.s32 $0x100, s26;
	[sflag:s17] =	ssyncadd.s32 $0xFFFFC000  }
0xba: {  	[tilespmem:s16], [sflag:$0x1] =	stream.indirect.gather [hbm4b:s4+s19], $0x80, s31, s19, $0xb8;
	[tilespmem:$0x1E400] =	vst v63  }
0xbb: {  	_ =	swait.ge [sflag:s22], $0x4000  }
0xbc: {  	[sflag:s22] =	ssyncset.done $0x0  }
0xbd: {  	s29 =	sadd.s32 $0x1480, s26;
	[sflag:s22] =	ssyncadd.s32 $0xFFFFC000  }
0xbe: {  	[spmem:s2] =	stream.indirect.scatter.add.f32 [tilespmem:s20], [sflag:$0x3], $0x80, s29, s19, $0xb8;
	[tilespmem:$0x1E400] =	vst v63  }
0xbf: {  	_ =	swait.ge [sflag:s17], $0x4000  }
0xc0: {  	[sflag:s17] =	ssyncset.done $0x0  }
0xc1: {  	[sflag:s17] =	ssyncadd.s32 $0xFFFFC000  }
0xc2: {  	[tilespmem:s20], [sflag:$0x2] =	stream.indirect.gather [hbm4b:s4+s19], $0x80, s23, s19, $0xb8;
	[tilespmem:$0x1E400] =	vst v63  }
0xc3: {  	_ =	swait.ge [sflag:s21], $0x4000  }
0xc4: {  	[sflag:s21] =	ssyncset.done $0x0  }
0xc5: {  	[sflag:s21] =	ssyncadd.s32 $0xFFFFC000  }
0xc6: {  	[spmem:s2] =	stream.indirect.scatter.add.f32 [tilespmem:s16], [sflag:$0x3], $0x80, s24, s19, $0xb8;
	[tilespmem:$0x1E400] =	vst v63  }
0xc7: {  	_ =	swait.ge [sflag:s17], $0x4000  }
0xc8: {  	[sflag:s17] =	ssyncset.done $0x0  }
0xc9: {  	[sflag:s17] =	ssyncadd.s32 $0xFFFFC000  }
0xca: {  	[tilespmem:s16], [sflag:$0x1] =	stream.indirect.gather [hbm4b:s4+s19], $0x80, s23, s19, $0xb8;
	[tilespmem:$0x1E400] =	vst v63  }
0xcb: {  	_ =	swait.ge [sflag:s22], $0x4000  }
0xcc: {  	[sflag:s22] =	ssyncset.done $0x0  }
0xcd: {  	[sflag:s22] =	ssyncadd.s32 $0xFFFFC000  }
0xce: {  	[spmem:s2] =	stream.indirect.scatter.add.f32 [tilespmem:s20], [sflag:$0x3], $0x80, s25, s19, $0xb8;
	[tilespmem:$0x1E400] =	vst v63  }
0xcf: {  	_ =	swait.ge [sflag:s17], $0x4000  }
0xd0: {  	[sflag:s17] =	ssyncset.done $0x0  }
0xd1: {  	[sflag:s17] =	ssyncadd.s32 $0xFFFFC000  }
0xd2: {  	_ =	swait.ge [sflag:s21], $0x4000  }
0xd3: {  	s3 =	sadd.s32 $0x1, s3;
	s30 =	sshll.u32 s0, $0x6;
	[sflag:s21] =	ssyncset.done $0x0  }
0xd4: {  	p0 =	sne.s32 s3, s11;
	s26 =	sor.u32 $0x1C03, s30;
	[sflag:s21] =	ssyncadd.s32 $0xFFFFC000  }
.Ltmp3:
0xd5: {  	s31 =	sshrl.u32 s5, $0x3;
	[bflag:$0x0] =	sbarrier.arrive $0xFFFF;
	(pc) =	sbr.rel @p0 .LBB2_1-.Ltmp3, $4  }
0xd6: {  	[hbm:s10], [sflag:s26] =	dma.local [spmem:s31], $0x2780  }
0xd7: {  	_ =	swait.ge [sflag:s17], $0x2780  }
0xd8: {  	[sflag:s17] =	ssyncset.done $0x0  }
0xd9: {  	[sflag:s17] =	ssyncadd.s32 $0xFFFFD880  }
0xda: {  	_ =	sfence.sel $0x180000  }
0xdb: {  	[bflag:$0x0] =	sbarrier.arrive $0xFFFF  }
0xdc: {  	p0 =	sne.s32 s0, $0x0;
	_ =	strace $0x9000004A  }
0xdd: {  	s0 =	sadd.s32 @!p0 $0x100000, s1;
	[bflag:$0x2] =	sbarrier.arrive $0xFFFF  }
0xde: {  	[sflag:s0] =	ssyncadd.tile.s32 @!p0 $0x1;
	_ =	shalt  }
.Lfunc_end2:
_tile_overlayer_lowered:
.L_overlay_start_2:
0xdf: {  	(tag) =	ssettag $0x2  }
0xe0: {  	s0 =	rddreg [dreg:$0x0];
	s2 =	stileid.u32  }
0xe1: {  	s1 =	rddreg [dreg:$0x1];
	p0 =	sne.s32 s2, $0x0  }
0xe2: {  	s3 =	rddreg [dreg:$0x2];
	[bflag:$0x3] =	sbarrier.arrive $0xFFFF;
	s2 =	simm.s32 @!p0 $0x1C03  }
0xe3: {  	[timem:s3], [sflag:s2] =	dma.local @!p0 [hbm:s0], s1  }
0xe4: {  	s0 =	simm.s32 @!p0 $0x3  }
0xe5: {  	_ =	swait.ge @!p0 [sflag:s0], s1  }
0xe6: {  	s1 =	ssub.s32 @!p0 $0x0, s1;
	[sflag:s0] =	ssyncset.done @!p0 $0x0  }
0xe7: {  	[sflag:s0] =	ssyncadd.s32 @!p0 s1  }
0xe8: {  	[bflag:$0x3] =	sbarrier.arrive $0xFFFF  }
0xe9: {  	_ =	shalt  }

// kernel: kernel.14.cloned.1.call-start
scs
__scs_entry_jumppad:
0x0: {  	(pc) =	sbr.rel $0x88, $3  }
0x1: {  	(tag) =	ssettag $0x0;
	lr =	simm.s32 $0x1  }
0x2: {  	[smem:$0x3F9B] =	sst lr;
	_ =	strace $0xD0000000  }
0x3: {  	_ = 	snop  }
0x4: {  	_ = 	snop  }
0x5: {  	_ = 	snop  }
0x6: {  	_ = 	snop  }
0x7: {  	_ = 	snop  }
__scs_overlays_trampoline_lowered:
0x8: {  	[smem:$0x3FAA] =	sst s0  }
0x9: {  	[smem:$0x3FAB] =	sst s1  }
0xa: {  	[smem:$0x3FAC] =	sst s2  }
0xb: {  	[smem:$0x3FAD] =	sst s3  }
0xc: {  	[smem:$0x3FAE] =	sst s4  }
0xd: {  	[smem:$0x3FAF] =	sst s5  }
0xe: {  	[smem:$0x3FB0] =	sst s6  }
0xf: {  	[smem:$0x3FB1] =	sst s7  }
0x10: {  	[smem:$0x3FB2] =	sst s8  }
0x11: {  	[smem:$0x3FB3] =	sst s9;
	s0 =	simm.s32 @!p0 $0x0  }
0x12: {  	s1 =	sld [smem:$0x3F99];
	s0 =	simm.s32 @p0 $0x1  }
0x13: {  	[smem:$0x3FB4] =	sst s0;
	s0 =	simm.s32 @!p1 $0x0  }
0x14: {  	s2 =	sld [smem:$0x3F98];
	s0 =	simm.s32 @p1 $0x1  }
0x15: {  	[smem:$0x3FB5] =	sst s0;
	s0 =	simm.s32 @!p2 $0x0  }
0x16: {  	s3 =	sld [smem:$0x3FDB];
	s0 =	simm.s32 @p2 $0x1  }
0x17: {  	s4 =	simm.s32 $0x1BF5;
	[smem:$0x3FB7] =	sst s0  }
0x18: {  	s0 =	sld [smem:$0x3F9A];
	_ =	swait.ge [sflag:s4], $0x0  }
0x19: {  	s7 =	sld [smem:$0x3F9B]  }
0x1a: {  	s8 =	sadd.s32 $0xFFFFE003, lr  }
0x1b: {  	s9 =	sadd.s32 $0xFFFFFEF7, lr;
	s5 =	simm.s32 $0xFFFFFFFF;
	p2 =	slt.u32 s8, $0xFFFFF086  }
0x1c: {  	p1 =	slt.u32 s9, $0xF7A;
	s5 =	simm.s32 @!p2 $0x0  }
0x1d: {  	s5 =	simm.s32 @p1 $0x1;
	p0 =	seq.s32 s7, s2  }
0x1e: {  	s7 =	smul.u32 @!p0 $0xF7A, s2;
	p2 =	seq.s32 @!p0 s5, $0x0  }
0x1f: {  	s9 =	smul.u32 $0xF7A, s1;
	s8 =	simm.s32 @!p0 $0x1BF5;
	p2 =	por !p2, p0  }
0x20: {  	[sflag:s8] =	ssyncset.s32 @!p0 $0xFFFFF086;
	s6 =	sadd.s32 @!p0 s3, s7;
	s7 =	simm.s32 @!p0 $0x108  }
0x21: {  	s3 =	sadd.s32 s3, s9;
	s6 =	sadd.s32 @!p0 $0x88, s6;
	s7 =	simm.s32 @p2 $0x1082  }
0x22: {  	[simem:s7], [sflag:s8] =	dma.local @!p0 [hbm:s6], $0xF7A  }
0x23: {  	s9 =	sor.u32 $0xD0000000, s2;
	s6 =	simm.s32 $0x108;
	_ =	swait.ge @!p0 [sflag:s8], $0x0  }
0x24: {  	s3 =	sadd.s32 $0x88, s3;
	s6 =	simm.s32 @!p1 $0x1082;
	[sflag:s4] =	ssyncset.s32 $0xFFFFF086  }
0x25: {  	[simem:s6], [sflag:s4] =	dma.local [hbm:s3], $0xF7A  }
0x26: {  	[smem:$0x3F9B] =	sst s1;
	(tag) =	ssettag s2;
	_ =	strace s9  }
0x27: {  	s1 =	sld [smem:$0x3FAB]  }
0x28: {  	s2 =	sld [smem:$0x3FAC]  }
0x29: {  	s4 =	sld [smem:$0x3FAE]  }
0x2a: {  	p0 =	seq.s32 s5, $0x0;
	s5 =	sld [smem:$0x3FAF]  }
0x2b: {  	s6 =	sld [smem:$0x3FB0]  }
0x2c: {  	s7 =	sld [smem:$0x3FB1]  }
0x2d: {  	s3 =	simm.s32 $0x108;
	s8 =	sld [smem:$0x3FB2]  }
0x2e: {  	s3 =	simm.s32 @!p0 $0x1082;
	s9 =	sld [smem:$0x3FB3]  }
0x2f: {  	lr =	sadd.s32 s0, s3;
	s0 =	sld [smem:$0x3FAA]  }
0x30: {  	s3 =	sld [smem:$0x3FAD]  }
0x31: {  	[smem:$0x3FB6] =	sst s10  }
0x32: {  	s10 =	sld [smem:$0x3FB4];
	_ =	sdelay $0x3  }
0x33: {  	p0 =	seq.s32 s10, $0x1;
	s10 =	sld [smem:$0x3FB6];
	_ =	sdelay $0x3  }
0x34: {  	[smem:$0x3FB6] =	sst s10  }
0x35: {  	s10 =	sld [smem:$0x3FB5];
	_ =	sdelay $0x3  }
0x36: {  	p1 =	seq.s32 s10, $0x1;
	s10 =	sld [smem:$0x3FB6];
	_ =	sdelay $0x3  }
0x37: {  	[smem:$0x3FB6] =	sst s10  }
0x38: {  	s10 =	sld [smem:$0x3FB7]  }
0x39: {  	_ = 	snop;
	(pc) =	sbr.ind lr, $3  }
0x3a: {  	_ = 	snop  }
0x3b: {  	_ = 	snop  }
0x3c: {  	p2 =	seq.s32 s10, $0x1;
	s10 =	sld [smem:$0x3FB6]  }
0x3d: {  	_ =	shalt  }
0x3e: {  	_ =	shalt  }
0x3f: {  	_ =	shalt  }
0x40: {  	_ =	shalt  }
0x41: {  	_ =	shalt  }
0x42: {  	_ =	shalt  }
0x43: {  	_ =	shalt  }
0x44: {  	_ =	shalt  }
0x45: {  	_ =	shalt  }
0x46: {  	_ =	shalt  }
0x47: {  	_ =	shalt  }
0x48: {  	_ =	shalt  }
0x49: {  	_ =	shalt  }
0x4a: {  	_ =	shalt  }
0x4b: {  	_ =	shalt  }
0x4c: {  	_ =	shalt  }
0x4d: {  	_ =	shalt  }
0x4e: {  	_ =	shalt  }
0x4f: {  	_ =	shalt  }
0x50: {  	_ =	shalt  }
0x51: {  	_ =	shalt  }
0x52: {  	_ =	shalt  }
0x53: {  	_ =	shalt  }
0x54: {  	_ =	shalt  }
0x55: {  	_ =	shalt  }
0x56: {  	_ =	shalt  }
0x57: {  	_ =	shalt  }
0x58: {  	_ =	shalt  }
0x59: {  	_ =	shalt  }
0x5a: {  	_ =	shalt  }
0x5b: {  	_ =	shalt  }
0x5c: {  	_ =	shalt  }
0x5d: {  	_ =	shalt  }
0x5e: {  	_ =	shalt  }
0x5f: {  	_ =	shalt  }
0x60: {  	_ =	shalt  }
0x61: {  	_ =	shalt  }
0x62: {  	_ =	shalt  }
0x63: {  	_ =	shalt  }
0x64: {  	_ =	shalt  }
0x65: {  	_ =	shalt  }
0x66: {  	_ =	shalt  }
0x67: {  	_ =	shalt  }
0x68: {  	_ =	shalt  }
0x69: {  	_ =	shalt  }
0x6a: {  	_ =	shalt  }
0x6b: {  	_ =	shalt  }
0x6c: {  	_ =	shalt  }
0x6d: {  	_ =	shalt  }
0x6e: {  	_ =	shalt  }
0x6f: {  	_ =	shalt  }
0x70: {  	_ =	shalt  }
0x71: {  	_ =	shalt  }
0x72: {  	_ =	shalt  }
0x73: {  	_ =	shalt  }
0x74: {  	_ =	shalt  }
0x75: {  	_ =	shalt  }
0x76: {  	_ =	shalt  }
0x77: {  	_ =	shalt  }
0x78: {  	_ =	shalt  }
0x79: {  	_ =	shalt  }
0x7a: {  	_ =	shalt  }
0x7b: {  	_ =	shalt  }
0x7c: {  	_ =	shalt  }
0x7d: {  	_ =	shalt  }
0x7e: {  	_ =	shalt  }
0x7f: {  	_ =	shalt  }
0x80: {  	_ =	shalt  }
0x81: {  	_ =	shalt  }
0x82: {  	_ =	shalt  }
0x83: {  	_ =	shalt  }
0x84: {  	_ =	shalt  }
0x85: {  	_ =	shalt  }
0x86: {  	_ =	shalt  }
0x87: {  	_ =	shalt  }
.Lfunc_end0:
.L_simem_size_0:
called_computation.2_lowered:
.L_overlay_start_0:
0x88: {  	s2 =	sld [smem:$0x3FD9]  }
0x89: {  	s3 =	sld [smem:$0x3FFE];
	_ =	sdelay $0x1  }
0x8a: {  	s1 =	srdreg.scid  }
0x8b: {  	s0 =	sand.u32 $0x1, s1  }
0x8c: {  	s17 =	sshll.u32 s0, $0xA;
	s2 =	sadd.s32 s3, s2  }
0x8d: {  	s2 =	sadd.s32 s2, s17  }
0x8e: {  	[smem:$0x3FC2] =	sst s2  }
0x8f: {  	_ = 	snop  }
0x90: {  	s2 =	sld [smem:$0x3FD0];
	(tm) =	ssettm $0x1  }
0x91: {  	s18 =	sld [smem:$0x3FFB];
	_ =	sdelay $0x3  }
0x92: {  	_ =	strace s18  }
0x93: {  	s3 =	sld [smem:$0x3FFC];
	_ =	sdelay $0x3  }
0x94: {  	_ =	strace s3  }
0x95: {  	s3 =	sld [smem:$0x3FFD];
	_ =	sdelay $0x3  }
0x96: {  	_ =	strace s3  }
0x97: {  	_ =	strace $0x8FFFFFFF  }
0x98: {  	s19 =	sld [smem:$0x3FDB];
	_ =	sdelay $0x1  }
0x99: {  	s4 =	simm.s32 $_scs_section_size  }
0x9a: {  	s5 =	simm.s32 $_size__tile_overlayer_lowered;
	s6 =	simm.s32 $_tile_overlayer_lowered  }
0x9b: {  	s22 =	simm.s32 $0x1BFF;
	s21 =	sshll.u32 s6, $0x1;
	s3 =	sadd.s32 s4, s19  }
0x9c: {  	s7 =	simm.s32 $0x0;
	s20 =	sshll.u32 s5, $0x1;
	s5 =	sadd.s32 s21, s3  }
0x9d: {  	[timem:s7], [sflag:s22] =	dma.local [hbm:s5], s20  }
0x9e: {  	_ =	swait.ge [sflag:s22], s20  }
0x9f: {  	s4 =	ssub.s32 $0x0, s20;
	[sflag:s22] =	ssyncset.done $0x0  }
0xa0: {  	[sflag:s22] =	ssyncadd.s32 s4;
	_ =	sdelay $0x1  }
0xa1: {  	s23 =	simm.s32 $0x1B8B  }
0xa2: {  	_ =	swait.ge [sflag:s23], $0x1  }
0xa3: {  	[sflag:s23] =	ssyncset.done $0x0  }
0xa4: {  	s25 =	simm.s32 $0x1B8E;
	s24 =	sld [smem:$0x3FFE];
	[sflag:s23] =	ssyncadd.s32 $0xFFFFFFFF  }
0xa5: {  	s26 =	simm.s32 $execute0_lowered;
	[smem:$0x3FD2] =	sst s25  }
0xa6: {  	s5 =	sshll.u32 s26, $0x1;
	_ =	strace $0x8000004C;
	[dreg:$0x1] =	wrdreg $0xFFFFFFFF  }
0xa7: {  	s28 =	simm.s32 $_size_execute0_lowered;
	s3 =	sadd.s32 s3, s5;
	[dreg:$0x0] =	wrdreg $0x0  }
0xa8: {  	s5 =	sshll.u32 s28, $0x1;
	[dreg:$0x2] =	wrdreg s3  }
0xa9: {  	[dreg:$0x3] =	wrdreg s5  }
0xaa: {  	[dreg:$0x4] =	wrdreg $0xC0  }
0xab: {  	_ =	task [dreg:s7], $0x5FFFF  }
0xac: {  	[dreg:$0x1] =	wrdreg $0xFFFFFFFF  }
0xad: {  	[dreg:$0x0] =	wrdreg $0x60  }
0xae: {  	[dreg:$0x2] =	wrdreg s24  }
0xaf: {  	[dreg:$0x3] =	wrdreg s2  }
0xb0: {  	[dreg:$0x4] =	wrdreg $0xA8000  }
0xb1: {  	[dreg:$0x5] =	wrdreg $0x9  }
0xb2: {  	_ =	task.clear_ibuf [dreg:s7], $0x6FFFF;
	_ =	strace $0x9000004C  }
0xb3: {  	s29 =	simm.s32 $0x9;
	_ =	strace $0x8000004E  }
0xb4: {  	_ =	swait.ge [sflag:s29], $0x1  }
0xb5: {  	[sflag:s29] =	ssyncadd.s32 $0xFFFFFFFF  }
0xb6: {  	_ =	strace $0x9000004E  }
0xb7: {  	_ =	sfence  }
0xb8: {  	s30 =	sld [smem:$0x0];
	_ =	sdelay $0x2  }
0xb9: {  	s31 =	sshll.u32 s1, $0xD;
	s1 =	sshrl.u32 s1, $0x2  }
0xba: {  	s3 =	sand.u32 $0x4000, s31;
	s1 =	sadd.s32 s1, s30  }
0xbb: {  	s0 =	sor.u32 s3, s0;
	s1 =	sshll.u32 s1, $0x11  }
0xbc: {  	s0 =	sor.u32 s1, s0  }
0xbd: {  	s0 =	sadd.s32 $0x8F2B, s0  }
0xbe: {  	[sflag:s0] =	ssyncadd.remote.s32 $0x1  }
0xbf: {  	_ =	sfence.sel $0xFFFF  }
0xc0: {  	[dreg:$0x0] =	wrdreg $0xFFFFFFFF;
	(pc) =	sbr.abs _section_cstart, $3  }
0xc1: {  	[dreg:$0x1] =	wrdreg $0xFFFFFFFF  }
0xc2: {  	_ =	task.clear_ibuf [dreg:s7], $0x2FFFF;
	_ =	strace $0x9FFFFFFF  }
0xc3: {  	(tm) =	ssettm $0x7FFFFFFF  }
tec
execute0_lowered:
.L_overlay_start_1:
0x0: {  	(tag) =	ssettag $0x1  }
0x1: {  	s5 =	rddreg [dreg:$0x0]  }
0x2: {  	s15 =	rddreg [dreg:$0x1]  }
0x3: {  	s2 =	rddreg [dreg:$0x2]  }
0x4: {  	s0 =	srdreg.scid;
	s1 =	rddreg [dreg:$0x3];
	s3 =	simm.s32 $0x0  }
0x5: {  	s17 =	simm.s32 $0x3;
	s18 =	simm.s32 $0x1400;
	s19 =	simm.s32 $0x80  }
0x6: {  	s20 =	simm.s32 $0x6800;
	s21 =	simm.s32 $0x1;
	s6 =	sand.u32 $0x1, s0  }
0x7: {  	s22 =	simm.s32 $0x2;
	s0 =	stileid.u32;
	s4 =	smul.u32 $0x13C000, s6  }
0x8: {  	s23 =	simm.s32 $0x1380;
	s24 =	simm.s32 $0x2700;
	s7 =	smul.u32 $0x13C00, s0  }
0x9: {  	s25 =	simm.s32 $0x2780;
	[smem:$0x7FF] =	sst s3;
	s8 =	smul.u32 $0x4F000, s0  }
0xa: {  	s14 =	sadd.s32 $0x1A00, s5;
	s29 =	ssub.s32 $0x2, s6;
	s11 =	smul.u32 $0x28000, s6  }
0xb: {  	_ =	strace $0x8000004D;
	s12 =	smul.u32 $0x2800, s0;
	s31 =	sshrl.u32 s29, $0x1  }
0xc: {  	s4 =	sadd.s32 s7, s4;
	s30 =	sshrl.u32 s8, $0x2;
	s13 =	ssub.s32 s29, s31  }
0xd: {  	s12 =	sadd.s32 s12, s11;
	s7 =	sshrl.u32 s4, $0x3;
	s4 =	sadd.s32 $0xBA00, s5  }
0xe: {  	s11 =	smax.u32 s13, $0x1;
	s16 =	sshrl.u32 s12, $0x3;
	s10 =	sadd.s32 s7, s5  }
0xf: {  	s5 =	sadd.s32 s30, s2;
	s12 =	sadd.s32 s14, s16;
	s13 =	sadd.s32 s15, s16  }
0x10: {  	s16 =	sadd.s32 $0x280, s16;
	s6 =	sadd.s32 $0x4000, s5;
	s7 =	sadd.s32 $0x8000, s5  }
0x11: {  	s8 =	sadd.s32 $0xC000, s5;
	s9 =	sadd.s32 $0x10000, s5;
	s10 =	sadd.s32 $0x32C00, s10  }
0x12: {  	v0 =	vimm.f32 $0.0e+00;
	s14 =	sadd.s32 s14, s16;
	s15 =	sadd.s32 s15, s16;
	s16 =	simm.s32 $0x2800  }
.LBB2_1:
0x13: {  	s26 =	simm.s32 $0x0;
	s28 =	simm.s32 $0x200  }
.LBB2_2:
0x14: {  	p0 =	sne.s32 s28, $0xFE00;
	[tilespmem:s26+$0x2870] =	vst v0  }
0x15: {  	[tilespmem:s26+$0x2800] =	vst v0  }
0x16: {  	[tilespmem:s26+$0x2810] =	vst v0  }
.Ltmp0:
0x17: {  	[tilespmem:s26+$0x2820] =	vst v0;
	(pc) =	sbr.rel @p0 .LBB2_2-.Ltmp0, $4  }
0x18: {  	[tilespmem:s26+$0x2830] =	vst v0  }
0x19: {  	[tilespmem:s26+$0x2840] =	vst v0  }
0x1a: {  	[tilespmem:s26+$0x2850] =	vst v0  }
0x1b: {  	[tilespmem:s26+$0x2860] =	vst v0;
	s26 =	sshra.s32 s28, $0x2;
	s28 =	sadd.s32 $0x200, s28  }
0x1c: {  	[tilespmem:s26+$0x2870] =	vst v0  }
0x1d: {  	[tilespmem:s26+$0x2800] =	vst v0  }
0x1e: {  	[tilespmem:s26+$0x2810] =	vst v0  }
0x1f: {  	[tilespmem:s26+$0x2820] =	vst v0  }
0x20: {  	[tilespmem:s26+$0x2830] =	vst v0  }
0x21: {  	[tilespmem:s26+$0x2840] =	vst v0  }
0x22: {  	[tilespmem:s26+$0x2850] =	vst v0  }
0x23: {  	[tilespmem:s26+$0x2860] =	vst v0  }
0x24: {  	[spmem:s5] =	stream.linear.scatter [tilespmem:s16], [sflag:$0x3], $0x4000, $0x38;
	[tilespmem:$0x1E400] =	vst v63  }
0x25: {  	_ =	swait.ge [sflag:s17], $0x4000  }
0x26: {  	[sflag:s17] =	ssyncset.done $0x0  }
0x27: {  	[sflag:s17] =	ssyncadd.s32 $0xFFFFC000  }
0x28: {  	[spmem:s6] =	stream.linear.scatter [tilespmem:s16], [sflag:$0x3], $0x4000, $0x38;
	[tilespmem:$0x1E400] =	vst v63  }
0x29: {  	_ =	swait.ge [sflag:s17], $0x4000  }
0x2a: {  	[sflag:s17] =	ssyncset.done $0x0  }
0x2b: {  	[sflag:s17] =	ssyncadd.s32 $0xFFFFC000  }
0x2c: {  	[spmem:s7] =	stream.linear.scatter [tilespmem:s16], [sflag:$0x3], $0x4000, $0x38;
	[tilespmem:$0x1E400] =	vst v63  }
0x2d: {  	_ =	swait.ge [sflag:s17], $0x4000  }
0x2e: {  	[sflag:s17] =	ssyncset.done $0x0  }
0x2f: {  	[sflag:s17] =	ssyncadd.s32 $0xFFFFC000  }
0x30: {  	[spmem:s8] =	stream.linear.scatter [tilespmem:s16], [sflag:$0x3], $0x4000, $0x38;
	[tilespmem:$0x1E400] =	vst v63  }
0x31: {  	_ =	swait.ge [sflag:s17], $0x4000  }
0x32: {  	[sflag:s17] =	ssyncset.done $0x0  }
0x33: {  	[sflag:s17] =	ssyncadd.s32 $0xFFFFC000  }
0x34: {  	[spmem:s9] =	stream.linear.scatter [tilespmem:s16], [sflag:$0x3], $0x3C00, $0x38;
	[tilespmem:$0x1E400] =	vst v63  }
0x35: {  	_ =	swait.ge [sflag:s17], $0x3C00  }
0x36: {  	[sflag:s17] =	ssyncset.done $0x0  }
0x37: {  	[sflag:s17] =	ssyncadd.s32 $0xFFFFC400  }
0x38: {  	s30 =	simm.s32 $0x0;
	[bflag:$0x0] =	sbarrier.arrive $0xFFFF  }
0x39: {  	[tilespmem:s30], [sflag:$0x3] =	stream.linear.gather [hbm4b:s12+s30], $0x1400, $0x38;
	[tilespmem:$0x1E400] =	vst v63  }
0x3a: {  	_ =	swait.ge [sflag:s17], $0x1400  }
0x3b: {  	[sflag:s17] =	ssyncset.done $0x0  }
0x3c: {  	[sflag:s17] =	ssyncadd.s32 $0xFFFFEC00  }
0x3d: {  	[tilespmem:s18], [sflag:$0x3] =	stream.linear.gather [hbm4b:s13+s30], $0x1400, $0x38;
	[tilespmem:$0x1E400] =	vst v63  }
0x3e: {  	_ =	swait.ge [sflag:s17], $0x1400  }
0x3f: {  	[sflag:s17] =	ssyncset.done $0x0  }
0x40: {  	[sflag:s17] =	ssyncadd.s32 $0xFFFFEC00  }
0x41: {  	[tilespmem:s16], [sflag:$0x1] =	stream.indirect.gather [hbm4b:s4+s19], $0x80, s30, s19, $0xb8;
	[tilespmem:$0x1E400] =	vst v63  }
0x42: {  	s31 =	simm.s32 $0x80  }
0x43: {  	[tilespmem:s20], [sflag:$0x2] =	stream.indirect.gather [hbm4b:s4+s19], $0x80, s31, s19, $0xb8;
	[tilespmem:$0x1E400] =	vst v63  }
0x44: {  	_ =	swait.ge [sflag:s21], $0x4000  }
0x45: {  	[sflag:s21] =	ssyncset.done $0x0  }
0x46: {  	s29 =	simm.s32 $0x1400;
	[sflag:s21] =	ssyncadd.s32 $0xFFFFC000  }
0x47: {  	[spmem:s2] =	stream.indirect.scatter.add.f32 [tilespmem:s16], [sflag:$0x3], $0x80, s29, s19, $0xb8;
	[tilespmem:$0x1E400] =	vst v63  }
0x48: {  	_ =	swait.ge [sflag:s17], $0x4000  }
0x49: {  	[sflag:s17] =	ssyncset.done $0x0  }
0x4a: {  	s30 =	simm.s32 $0x100;
	[sflag:s17] =	ssyncadd.s32 $0xFFFFC000  }
0x4b: {  	[tilespmem:s16], [sflag:$0x1] =	stream.indirect.gather [hbm4b:s4+s19], $0x80, s30, s19, $0xb8;
	[tilespmem:$0x1E400] =	vst v63  }
0x4c: {  	_ =	swait.ge [sflag:s22], $0x4000  }
0x4d: {  	[sflag:s22] =	ssyncset.done $0x0  }
0x4e: {  	s31 =	simm.s32 $0x1480;
	[sflag:s22] =	ssyncadd.s32 $0xFFFFC000  }
0x4f: {  	[spmem:s2] =	stream.indirect.scatter.add.f32 [tilespmem:s20], [sflag:$0x3], $0x80, s31, s19, $0xb8;
	[tilespmem:$0x1E400] =	vst v63  }
0x50: {  	_ =	swait.ge [sflag:s17], $0x4000  }
0x51: {  	s28 =	simm.s32 $0x800;
	s26 =	simm.s32 $0x100;
	[sflag:s17] =	ssyncset.done $0x0  }
.LBB2_4:
0x52: {  	s29 =	sadd.s32 $0x80, s26  }
0x53: {  	[sflag:s17] =	ssyncadd.s32 $0xFFFFC000;
	s30 =	smov.u32 s28;
	s31 =	sadd.s32 $0x400, s28  }
0x54: {  	[tilespmem:s20], [sflag:$0x2] =	stream.indirect.gather [hbm4b:s4+s19], $0x80, s29, s19, $0xb8;
	[tilespmem:$0x1E400] =	vst v63  }
0x55: {  	p0 =	sne.s32 s28, $0x4800;
	_ =	swait.ge [sflag:s21], $0x4000  }
0x56: {  	[sflag:s21] =	ssyncset.done $0x0  }
0x57: {  	s28 =	sadd.s32 $0x1400, s26;
	[sflag:s21] =	ssyncadd.s32 $0xFFFFC000  }
0x58: {  	[spmem:s2] =	stream.indirect.scatter.add.f32 [tilespmem:s16], [sflag:$0x3], $0x80, s28, s19, $0xb8;
	[tilespmem:$0x1E400] =	vst v63  }
0x59: {  	_ =	swait.ge [sflag:s17], $0x4000  }
0x5a: {  	[sflag:s17] =	ssyncset.done $0x0  }
0x5b: {  	s28 =	sadd.s32 $0x100, s26;
	[sflag:s17] =	ssyncadd.s32 $0xFFFFC000  }
0x5c: {  	[tilespmem:s16], [sflag:$0x1] =	stream.indirect.gather [hbm4b:s4+s19], $0x80, s28, s19, $0xb8;
	[tilespmem:$0x1E400] =	vst v63  }
0x5d: {  	_ =	swait.ge [sflag:s22], $0x4000  }
.Ltmp1:
0x5e: {  	[sflag:s22] =	ssyncset.done $0x0;
	(pc) =	sbr.rel @p0 .LBB2_4-.Ltmp1, $4  }
0x5f: {  	s26 =	sadd.s32 $0x1480, s26;
	[sflag:s22] =	ssyncadd.s32 $0xFFFFC000  }
0x60: {  	[spmem:s2] =	stream.indirect.scatter.add.f32 [tilespmem:s20], [sflag:$0x3], $0x80, s26, s19, $0xb8;
	[tilespmem:$0x1E400] =	vst v63  }
0x61: {  	_ =	swait.ge [sflag:s17], $0x4000  }
0x62: {  	s28 =	smov.u32 s31;
	s26 =	sshra.s32 s30, $0x2;
	[sflag:s17] =	ssyncset.done $0x0  }
0x63: {  	s28 =	sadd.s32 $0x80, s26;
	[sflag:s17] =	ssyncadd.s32 $0xFFFFC000  }
0x64: {  	[tilespmem:s20], [sflag:$0x2] =	stream.indirect.gather [hbm4b:s4+s19], $0x80, s28, s19, $0xb8;
	[tilespmem:$0x1E400] =	vst v63  }
0x65: {  	_ =	swait.ge [sflag:s21], $0x4000  }
0x66: {  	[sflag:s21] =	ssyncset.done $0x0  }
0x67: {  	s28 =	sadd.s32 $0x1400, s26;
	[sflag:s21] =	ssyncadd.s32 $0xFFFFC000  }
0x68: {  	[spmem:s2] =	stream.indirect.scatter.add.f32 [tilespmem:s16], [sflag:$0x3], $0x80, s28, s19, $0xb8;
	[tilespmem:$0x1E400] =	vst v63  }
0x69: {  	_ =	swait.ge [sflag:s17], $0x4000  }
0x6a: {  	[sflag:s17] =	ssyncset.done $0x0  }
0x6b: {  	s28 =	sadd.s32 $0x100, s26;
	[sflag:s17] =	ssyncadd.s32 $0xFFFFC000  }
0x6c: {  	[tilespmem:s16], [sflag:$0x1] =	stream.indirect.gather [hbm4b:s4+s19], $0x80, s28, s19, $0xb8;
	[tilespmem:$0x1E400] =	vst v63  }
0x6d: {  	_ =	swait.ge [sflag:s22], $0x4000  }
0x6e: {  	[sflag:s22] =	ssyncset.done $0x0  }
0x6f: {  	s29 =	sadd.s32 $0x1480, s26;
	[sflag:s22] =	ssyncadd.s32 $0xFFFFC000  }
0x70: {  	[spmem:s2] =	stream.indirect.scatter.add.f32 [tilespmem:s20], [sflag:$0x3], $0x80, s29, s19, $0xb8;
	[tilespmem:$0x1E400] =	vst v63  }
0x71: {  	_ =	swait.ge [sflag:s17], $0x4000  }
0x72: {  	[sflag:s17] =	ssyncset.done $0x0  }
0x73: {  	[sflag:s17] =	ssyncadd.s32 $0xFFFFC000  }
0x74: {  	[tilespmem:s20], [sflag:$0x2] =	stream.indirect.gather [hbm4b:s4+s19], $0x80, s23, s19, $0xb8;
	[tilespmem:$0x1E400] =	vst v63  }
0x75: {  	_ =	swait.ge [sflag:s21], $0x4000  }
0x76: {  	[sflag:s21] =	ssyncset.done $0x0  }
0x77: {  	[sflag:s21] =	ssyncadd.s32 $0xFFFFC000  }
0x78: {  	[spmem:s2] =	stream.indirect.scatter.add.f32 [tilespmem:s16], [sflag:$0x3], $0x80, s24, s19, $0xb8;
	[tilespmem:$0x1E400] =	vst v63  }
0x79: {  	_ =	swait.ge [sflag:s17], $0x4000  }
0x7a: {  	[sflag:s17] =	ssyncset.done $0x0  }
0x7b: {  	[sflag:s17] =	ssyncadd.s32 $0xFFFFC000  }
0x7c: {  	[tilespmem:s16], [sflag:$0x1] =	stream.indirect.gather [hbm4b:s4+s19], $0x80, s23, s19, $0xb8;
	[tilespmem:$0x1E400] =	vst v63  }
0x7d: {  	_ =	swait.ge [sflag:s22], $0x4000  }
0x7e: {  	[sflag:s22] =	ssyncset.done $0x0  }
0x7f: {  	[sflag:s22] =	ssyncadd.s32 $0xFFFFC000  }
0x80: {  	[spmem:s2] =	stream.indirect.scatter.add.f32 [tilespmem:s20], [sflag:$0x3], $0x80, s25, s19, $0xb8;
	[tilespmem:$0x1E400] =	vst v63  }
0x81: {  	_ =	swait.ge [sflag:s17], $0x4000  }
0x82: {  	[sflag:s17] =	ssyncset.done $0x0  }
0x83: {  	[sflag:s17] =	ssyncadd.s32 $0xFFFFC000  }
0x84: {  	_ =	swait.ge [sflag:s21], $0x4000  }
0x85: {  	[sflag:s21] =	ssyncset.done $0x0  }
0x86: {  	s30 =	simm.s32 $0x0;
	[sflag:s21] =	ssyncadd.s32 $0xFFFFC000  }
0x87: {  	[tilespmem:s30], [sflag:$0x3] =	stream.linear.gather [hbm4b:s14+s30], $0x1400, $0x38;
	[tilespmem:$0x1E400] =	vst v63  }
0x88: {  	_ =	swait.ge [sflag:s17], $0x1400  }
0x89: {  	[sflag:s17] =	ssyncset.done $0x0  }
0x8a: {  	[sflag:s17] =	ssyncadd.s32 $0xFFFFEC00  }
0x8b: {  	[tilespmem:s18], [sflag:$0x3] =	stream.linear.gather [hbm4b:s15+s30], $0x1400, $0x38;
	[tilespmem:$0x1E400] =	vst v63  }
0x8c: {  	_ =	swait.ge [sflag:s17], $0x1400  }
0x8d: {  	[sflag:s17] =	ssyncset.done $0x0  }
0x8e: {  	[sflag:s17] =	ssyncadd.s32 $0xFFFFEC00  }
0x8f: {  	[tilespmem:s16], [sflag:$0x1] =	stream.indirect.gather [hbm4b:s4+s19], $0x80, s30, s19, $0xb8;
	[tilespmem:$0x1E400] =	vst v63  }
0x90: {  	s31 =	simm.s32 $0x80  }
0x91: {  	[tilespmem:s20], [sflag:$0x2] =	stream.indirect.gather [hbm4b:s4+s19], $0x80, s31, s19, $0xb8;
	[tilespmem:$0x1E400] =	vst v63  }
0x92: {  	_ =	swait.ge [sflag:s21], $0x4000  }
0x93: {  	[sflag:s21] =	ssyncset.done $0x0  }
0x94: {  	s29 =	simm.s32 $0x1400;
	[sflag:s21] =	ssyncadd.s32 $0xFFFFC000  }
0x95: {  	[spmem:s2] =	stream.indirect.scatter.add.f32 [tilespmem:s16], [sflag:$0x3], $0x80, s29, s19, $0xb8;
	[tilespmem:$0x1E400] =	vst v63  }
0x96: {  	_ =	swait.ge [sflag:s17], $0x4000  }
0x97: {  	[sflag:s17] =	ssyncset.done $0x0  }
0x98: {  	s30 =	simm.s32 $0x100;
	[sflag:s17] =	ssyncadd.s32 $0xFFFFC000  }
0x99: {  	[tilespmem:s16], [sflag:$0x1] =	stream.indirect.gather [hbm4b:s4+s19], $0x80, s30, s19, $0xb8;
	[tilespmem:$0x1E400] =	vst v63  }
0x9a: {  	_ =	swait.ge [sflag:s22], $0x4000  }
0x9b: {  	[sflag:s22] =	ssyncset.done $0x0  }
0x9c: {  	s31 =	simm.s32 $0x1480;
	[sflag:s22] =	ssyncadd.s32 $0xFFFFC000  }
0x9d: {  	[spmem:s2] =	stream.indirect.scatter.add.f32 [tilespmem:s20], [sflag:$0x3], $0x80, s31, s19, $0xb8;
	[tilespmem:$0x1E400] =	vst v63  }
0x9e: {  	_ =	swait.ge [sflag:s17], $0x4000  }
0x9f: {  	s26 =	simm.s32 $0x100;
	s28 =	simm.s32 $0x800;
	[sflag:s17] =	ssyncset.done $0x0  }
.LBB2_6:
0xa0: {  	s29 =	sadd.s32 $0x80, s26  }
0xa1: {  	[sflag:s17] =	ssyncadd.s32 $0xFFFFC000;
	s30 =	smov.u32 s28;
	s31 =	sadd.s32 $0x400, s28  }
0xa2: {  	[tilespmem:s20], [sflag:$0x2] =	stream.indirect.gather [hbm4b:s4+s19], $0x80, s29, s19, $0xb8;
	[tilespmem:$0x1E400] =	vst v63  }
0xa3: {  	p0 =	sne.s32 s28, $0x4800;
	_ =	swait.ge [sflag:s21], $0x4000  }
0xa4: {  	[sflag:s21] =	ssyncset.done $0x0  }
0xa5: {  	s28 =	sadd.s32 $0x1400, s26;
	[sflag:s21] =	ssyncadd.s32 $0xFFFFC000  }
0xa6: {  	[spmem:s2] =	stream.indirect.scatter.add.f32 [tilespmem:s16], [sflag:$0x3], $0x80, s28, s19, $0xb8;
	[tilespmem:$0x1E400] =	vst v63  }
0xa7: {  	_ =	swait.ge [sflag:s17], $0x4000  }
0xa8: {  	[sflag:s17] =	ssyncset.done $0x0  }
0xa9: {  	s28 =	sadd.s32 $0x100, s26;
	[sflag:s17] =	ssyncadd.s32 $0xFFFFC000  }
0xaa: {  	[tilespmem:s16], [sflag:$0x1] =	stream.indirect.gather [hbm4b:s4+s19], $0x80, s28, s19, $0xb8;
	[tilespmem:$0x1E400] =	vst v63  }
0xab: {  	_ =	swait.ge [sflag:s22], $0x4000  }
.Ltmp2:
0xac: {  	[sflag:s22] =	ssyncset.done $0x0;
	(pc) =	sbr.rel @p0 .LBB2_6-.Ltmp2, $4  }
0xad: {  	s26 =	sadd.s32 $0x1480, s26;
	[sflag:s22] =	ssyncadd.s32 $0xFFFFC000  }
0xae: {  	[spmem:s2] =	stream.indirect.scatter.add.f32 [tilespmem:s20], [sflag:$0x3], $0x80, s26, s19, $0xb8;
	[tilespmem:$0x1E400] =	vst v63  }
0xaf: {  	_ =	swait.ge [sflag:s17], $0x4000  }
0xb0: {  	s28 =	smov.u32 s31;
	s26 =	sshra.s32 s30, $0x2;
	[sflag:s17] =	ssyncset.done $0x0  }
0xb1: {  	s28 =	sadd.s32 $0x80, s26;
	[sflag:s17] =	ssyncadd.s32 $0xFFFFC000  }
0xb2: {  	[tilespmem:s20], [sflag:$0x2] =	stream.indirect.gather [hbm4b:s4+s19], $0x80, s28, s19, $0xb8;
	[tilespmem:$0x1E400] =	vst v63  }
0xb3: {  	_ =	swait.ge [sflag:s21], $0x4000  }
0xb4: {  	[sflag:s21] =	ssyncset.done $0x0  }
0xb5: {  	s30 =	sadd.s32 $0x1400, s26;
	[sflag:s21] =	ssyncadd.s32 $0xFFFFC000  }
0xb6: {  	[spmem:s2] =	stream.indirect.scatter.add.f32 [tilespmem:s16], [sflag:$0x3], $0x80, s30, s19, $0xb8;
	[tilespmem:$0x1E400] =	vst v63  }
0xb7: {  	_ =	swait.ge [sflag:s17], $0x4000  }
0xb8: {  	[sflag:s17] =	ssyncset.done $0x0  }
0xb9: {  	s31 =	sadd.s32 $0x100, s26;
	[sflag:s17] =	ssyncadd.s32 $0xFFFFC000  }
0xba: {  	[tilespmem:s16], [sflag:$0x1] =	stream.indirect.gather [hbm4b:s4+s19], $0x80, s31, s19, $0xb8;
	[tilespmem:$0x1E400] =	vst v63  }
0xbb: {  	_ =	swait.ge [sflag:s22], $0x4000  }
0xbc: {  	[sflag:s22] =	ssyncset.done $0x0  }
0xbd: {  	s29 =	sadd.s32 $0x1480, s26;
	[sflag:s22] =	ssyncadd.s32 $0xFFFFC000  }
0xbe: {  	[spmem:s2] =	stream.indirect.scatter.add.f32 [tilespmem:s20], [sflag:$0x3], $0x80, s29, s19, $0xb8;
	[tilespmem:$0x1E400] =	vst v63  }
0xbf: {  	_ =	swait.ge [sflag:s17], $0x4000  }
0xc0: {  	[sflag:s17] =	ssyncset.done $0x0  }
0xc1: {  	[sflag:s17] =	ssyncadd.s32 $0xFFFFC000  }
0xc2: {  	[tilespmem:s20], [sflag:$0x2] =	stream.indirect.gather [hbm4b:s4+s19], $0x80, s23, s19, $0xb8;
	[tilespmem:$0x1E400] =	vst v63  }
0xc3: {  	_ =	swait.ge [sflag:s21], $0x4000  }
0xc4: {  	[sflag:s21] =	ssyncset.done $0x0  }
0xc5: {  	[sflag:s21] =	ssyncadd.s32 $0xFFFFC000  }
0xc6: {  	[spmem:s2] =	stream.indirect.scatter.add.f32 [tilespmem:s16], [sflag:$0x3], $0x80, s24, s19, $0xb8;
	[tilespmem:$0x1E400] =	vst v63  }
0xc7: {  	_ =	swait.ge [sflag:s17], $0x4000  }
0xc8: {  	[sflag:s17] =	ssyncset.done $0x0  }
0xc9: {  	[sflag:s17] =	ssyncadd.s32 $0xFFFFC000  }
0xca: {  	[tilespmem:s16], [sflag:$0x1] =	stream.indirect.gather [hbm4b:s4+s19], $0x80, s23, s19, $0xb8;
	[tilespmem:$0x1E400] =	vst v63  }
0xcb: {  	_ =	swait.ge [sflag:s22], $0x4000  }
0xcc: {  	[sflag:s22] =	ssyncset.done $0x0  }
0xcd: {  	[sflag:s22] =	ssyncadd.s32 $0xFFFFC000  }
0xce: {  	[spmem:s2] =	stream.indirect.scatter.add.f32 [tilespmem:s20], [sflag:$0x3], $0x80, s25, s19, $0xb8;
	[tilespmem:$0x1E400] =	vst v63  }
0xcf: {  	_ =	swait.ge [sflag:s17], $0x4000  }
0xd0: {  	[sflag:s17] =	ssyncset.done $0x0  }
0xd1: {  	[sflag:s17] =	ssyncadd.s32 $0xFFFFC000  }
0xd2: {  	_ =	swait.ge [sflag:s21], $0x4000  }
0xd3: {  	s3 =	sadd.s32 $0x1, s3;
	s30 =	sshll.u32 s0, $0x6;
	[sflag:s21] =	ssyncset.done $0x0  }
0xd4: {  	p0 =	sne.s32 s3, s11;
	s26 =	sor.u32 $0x1C03, s30;
	[sflag:s21] =	ssyncadd.s32 $0xFFFFC000  }
.Ltmp3:
0xd5: {  	s31 =	sshrl.u32 s5, $0x3;
	[bflag:$0x0] =	sbarrier.arrive $0xFFFF;
	(pc) =	sbr.rel @p0 .LBB2_1-.Ltmp3, $4  }
0xd6: {  	[hbm:s10], [sflag:s26] =	dma.local [spmem:s31], $0x2780  }
0xd7: {  	_ =	swait.ge [sflag:s17], $0x2780  }
0xd8: {  	[sflag:s17] =	ssyncset.done $0x0  }
0xd9: {  	[sflag:s17] =	ssyncadd.s32 $0xFFFFD880  }
0xda: {  	_ =	sfence.sel $0x180000  }
0xdb: {  	[bflag:$0x0] =	sbarrier.arrive $0xFFFF  }
0xdc: {  	p0 =	sne.s32 s0, $0x0;
	_ =	strace $0x9000004D  }
0xdd: {  	s0 =	sadd.s32 @!p0 $0x100000, s1;
	[bflag:$0x2] =	sbarrier.arrive $0xFFFF  }
0xde: {  	[sflag:s0] =	ssyncadd.tile.s32 @!p0 $0x1;
	_ =	shalt  }
.Lfunc_end2:
_tile_overlayer_lowered:
.L_overlay_start_2:
0xdf: {  	(tag) =	ssettag $0x2  }
0xe0: {  	s0 =	rddreg [dreg:$0x0];
	s2 =	stileid.u32  }
0xe1: {  	s1 =	rddreg [dreg:$0x1];
	p0 =	sne.s32 s2, $0x0  }
0xe2: {  	s3 =	rddreg [dreg:$0x2];
	[bflag:$0x3] =	sbarrier.arrive $0xFFFF;
	s2 =	simm.s32 @!p0 $0x1C03  }
0xe3: {  	[timem:s3], [sflag:s2] =	dma.local @!p0 [hbm:s0], s1  }
0xe4: {  	s0 =	simm.s32 @!p0 $0x3  }
0xe5: {  	_ =	swait.ge @!p0 [sflag:s0], s1  }
0xe6: {  	s1 =	ssub.s32 @!p0 $0x0, s1;
	[sflag:s0] =	ssyncset.done @!p0 $0x0  }
0xe7: {  	[sflag:s0] =	ssyncadd.s32 @!p0 s1  }
0xe8: {  	[bflag:$0x3] =	sbarrier.arrive $0xFFFF  }
0xe9: {  	_ =	shalt  }

// kernel: kernel.8.cloned.1.call-start
scs
__scs_entry_jumppad:
0x0: {  	(pc) =	sbr.rel $0x88, $3  }
0x1: {  	(tag) =	ssettag $0x0;
	lr =	simm.s32 $0x1  }
0x2: {  	[smem:$0x3F9B] =	sst lr;
	_ =	strace $0xD0000000  }
0x3: {  	_ = 	snop  }
0x4: {  	_ = 	snop  }
0x5: {  	_ = 	snop  }
0x6: {  	_ = 	snop  }
0x7: {  	_ = 	snop  }
__scs_overlays_trampoline_lowered:
0x8: {  	[smem:$0x3FAA] =	sst s0  }
0x9: {  	[smem:$0x3FAB] =	sst s1  }
0xa: {  	[smem:$0x3FAC] =	sst s2  }
0xb: {  	[smem:$0x3FAD] =	sst s3  }
0xc: {  	[smem:$0x3FAE] =	sst s4  }
0xd: {  	[smem:$0x3FAF] =	sst s5  }
0xe: {  	[smem:$0x3FB0] =	sst s6  }
0xf: {  	[smem:$0x3FB1] =	sst s7  }
0x10: {  	[smem:$0x3FB2] =	sst s8  }
0x11: {  	[smem:$0x3FB3] =	sst s9;
	s0 =	simm.s32 @!p0 $0x0  }
0x12: {  	s1 =	sld [smem:$0x3F99];
	s0 =	simm.s32 @p0 $0x1  }
0x13: {  	[smem:$0x3FB4] =	sst s0;
	s0 =	simm.s32 @!p1 $0x0  }
0x14: {  	s2 =	sld [smem:$0x3F98];
	s0 =	simm.s32 @p1 $0x1  }
0x15: {  	[smem:$0x3FB5] =	sst s0;
	s0 =	simm.s32 @!p2 $0x0  }
0x16: {  	s3 =	sld [smem:$0x3FDB];
	s0 =	simm.s32 @p2 $0x1  }
0x17: {  	s4 =	simm.s32 $0x1BF5;
	[smem:$0x3FB7] =	sst s0  }
0x18: {  	s0 =	sld [smem:$0x3F9A];
	_ =	swait.ge [sflag:s4], $0x0  }
0x19: {  	s7 =	sld [smem:$0x3F9B]  }
0x1a: {  	s8 =	sadd.s32 $0xFFFFE003, lr  }
0x1b: {  	s9 =	sadd.s32 $0xFFFFFEF7, lr;
	s5 =	simm.s32 $0xFFFFFFFF;
	p2 =	slt.u32 s8, $0xFFFFF086  }
0x1c: {  	p1 =	slt.u32 s9, $0xF7A;
	s5 =	simm.s32 @!p2 $0x0  }
0x1d: {  	s5 =	simm.s32 @p1 $0x1;
	p0 =	seq.s32 s7, s2  }
0x1e: {  	s7 =	smul.u32 @!p0 $0xF7A, s2;
	p2 =	seq.s32 @!p0 s5, $0x0  }
0x1f: {  	s9 =	smul.u32 $0xF7A, s1;
	s8 =	simm.s32 @!p0 $0x1BF5;
	p2 =	por !p2, p0  }
0x20: {  	[sflag:s8] =	ssyncset.s32 @!p0 $0xFFFFF086;
	s6 =	sadd.s32 @!p0 s3, s7;
	s7 =	simm.s32 @!p0 $0x108  }
0x21: {  	s3 =	sadd.s32 s3, s9;
	s6 =	sadd.s32 @!p0 $0x88, s6;
	s7 =	simm.s32 @p2 $0x1082  }
0x22: {  	[simem:s7], [sflag:s8] =	dma.local @!p0 [hbm:s6], $0xF7A  }
0x23: {  	s9 =	sor.u32 $0xD0000000, s2;
	s6 =	simm.s32 $0x108;
	_ =	swait.ge @!p0 [sflag:s8], $0x0  }
0x24: {  	s3 =	sadd.s32 $0x88, s3;
	s6 =	simm.s32 @!p1 $0x1082;
	[sflag:s4] =	ssyncset.s32 $0xFFFFF086  }
0x25: {  	[simem:s6], [sflag:s4] =	dma.local [hbm:s3], $0xF7A  }
0x26: {  	[smem:$0x3F9B] =	sst s1;
	(tag) =	ssettag s2;
	_ =	strace s9  }
0x27: {  	s1 =	sld [smem:$0x3FAB]  }
0x28: {  	s2 =	sld [smem:$0x3FAC]  }
0x29: {  	s4 =	sld [smem:$0x3FAE]  }
0x2a: {  	p0 =	seq.s32 s5, $0x0;
	s5 =	sld [smem:$0x3FAF]  }
0x2b: {  	s6 =	sld [smem:$0x3FB0]  }
0x2c: {  	s7 =	sld [smem:$0x3FB1]  }
0x2d: {  	s3 =	simm.s32 $0x108;
	s8 =	sld [smem:$0x3FB2]  }
0x2e: {  	s3 =	simm.s32 @!p0 $0x1082;
	s9 =	sld [smem:$0x3FB3]  }
0x2f: {  	lr =	sadd.s32 s0, s3;
	s0 =	sld [smem:$0x3FAA]  }
0x30: {  	s3 =	sld [smem:$0x3FAD]  }
0x31: {  	[smem:$0x3FB6] =	sst s10  }
0x32: {  	s10 =	sld [smem:$0x3FB4];
	_ =	sdelay $0x3  }
0x33: {  	p0 =	seq.s32 s10, $0x1;
	s10 =	sld [smem:$0x3FB6];
	_ =	sdelay $0x3  }
0x34: {  	[smem:$0x3FB6] =	sst s10  }
0x35: {  	s10 =	sld [smem:$0x3FB5];
	_ =	sdelay $0x3  }
0x36: {  	p1 =	seq.s32 s10, $0x1;
	s10 =	sld [smem:$0x3FB6];
	_ =	sdelay $0x3  }
0x37: {  	[smem:$0x3FB6] =	sst s10  }
0x38: {  	s10 =	sld [smem:$0x3FB7]  }
0x39: {  	_ = 	snop;
	(pc) =	sbr.ind lr, $3  }
0x3a: {  	_ = 	snop  }
0x3b: {  	_ = 	snop  }
0x3c: {  	p2 =	seq.s32 s10, $0x1;
	s10 =	sld [smem:$0x3FB6]  }
0x3d: {  	_ =	shalt  }
0x3e: {  	_ =	shalt  }
0x3f: {  	_ =	shalt  }
0x40: {  	_ =	shalt  }
0x41: {  	_ =	shalt  }
0x42: {  	_ =	shalt  }
0x43: {  	_ =	shalt  }
0x44: {  	_ =	shalt  }
0x45: {  	_ =	shalt  }
0x46: {  	_ =	shalt  }
0x47: {  	_ =	shalt  }
0x48: {  	_ =	shalt  }
0x49: {  	_ =	shalt  }
0x4a: {  	_ =	shalt  }
0x4b: {  	_ =	shalt  }
0x4c: {  	_ =	shalt  }
0x4d: {  	_ =	shalt  }
0x4e: {  	_ =	shalt  }
0x4f: {  	_ =	shalt  }
0x50: {  	_ =	shalt  }
0x51: {  	_ =	shalt  }
0x52: {  	_ =	shalt  }
0x53: {  	_ =	shalt  }
0x54: {  	_ =	shalt  }
0x55: {  	_ =	shalt  }
0x56: {  	_ =	shalt  }
0x57: {  	_ =	shalt  }
0x58: {  	_ =	shalt  }
0x59: {  	_ =	shalt  }
0x5a: {  	_ =	shalt  }
0x5b: {  	_ =	shalt  }
0x5c: {  	_ =	shalt  }
0x5d: {  	_ =	shalt  }
0x5e: {  	_ =	shalt  }
0x5f: {  	_ =	shalt  }
0x60: {  	_ =	shalt  }
0x61: {  	_ =	shalt  }
0x62: {  	_ =	shalt  }
0x63: {  	_ =	shalt  }
0x64: {  	_ =	shalt  }
0x65: {  	_ =	shalt  }
0x66: {  	_ =	shalt  }
0x67: {  	_ =	shalt  }
0x68: {  	_ =	shalt  }
0x69: {  	_ =	shalt  }
0x6a: {  	_ =	shalt  }
0x6b: {  	_ =	shalt  }
0x6c: {  	_ =	shalt  }
0x6d: {  	_ =	shalt  }
0x6e: {  	_ =	shalt  }
0x6f: {  	_ =	shalt  }
0x70: {  	_ =	shalt  }
0x71: {  	_ =	shalt  }
0x72: {  	_ =	shalt  }
0x73: {  	_ =	shalt  }
0x74: {  	_ =	shalt  }
0x75: {  	_ =	shalt  }
0x76: {  	_ =	shalt  }
0x77: {  	_ =	shalt  }
0x78: {  	_ =	shalt  }
0x79: {  	_ =	shalt  }
0x7a: {  	_ =	shalt  }
0x7b: {  	_ =	shalt  }
0x7c: {  	_ =	shalt  }
0x7d: {  	_ =	shalt  }
0x7e: {  	_ =	shalt  }
0x7f: {  	_ =	shalt  }
0x80: {  	_ =	shalt  }
0x81: {  	_ =	shalt  }
0x82: {  	_ =	shalt  }
0x83: {  	_ =	shalt  }
0x84: {  	_ =	shalt  }
0x85: {  	_ =	shalt  }
0x86: {  	_ =	shalt  }
0x87: {  	_ =	shalt  }
.Lfunc_end0:
.L_simem_size_0:
called_computation_lowered:
.L_overlay_start_0:
0x88: {  	s2 =	sld [smem:$0x3FD9]  }
0x89: {  	s3 =	sld [smem:$0x3FFE];
	_ =	sdelay $0x1  }
0x8a: {  	s1 =	srdreg.scid  }
0x8b: {  	s0 =	sand.u32 $0x1, s1  }
0x8c: {  	s17 =	sshll.u32 s0, $0xA;
	s2 =	sadd.s32 s3, s2  }
0x8d: {  	s2 =	sadd.s32 s2, s17  }
0x8e: {  	[smem:$0x3FC2] =	sst s2  }
0x8f: {  	_ = 	snop  }
0x90: {  	s2 =	sld [smem:$0x3FD0];
	(tm) =	ssettm $0x1  }
0x91: {  	s18 =	sld [smem:$0x3FFB];
	_ =	sdelay $0x3  }
0x92: {  	_ =	strace s18  }
0x93: {  	s3 =	sld [smem:$0x3FFC];
	_ =	sdelay $0x3  }
0x94: {  	_ =	strace s3  }
0x95: {  	s3 =	sld [smem:$0x3FFD];
	_ =	sdelay $0x3  }
0x96: {  	_ =	strace s3  }
0x97: {  	_ =	strace $0x8FFFFFFF  }
0x98: {  	s19 =	sld [smem:$0x3FDB];
	_ =	sdelay $0x1  }
0x99: {  	s4 =	simm.s32 $_scs_section_size  }
0x9a: {  	s5 =	simm.s32 $_size__tile_overlayer_lowered;
	s6 =	simm.s32 $_tile_overlayer_lowered  }
0x9b: {  	s22 =	simm.s32 $0x1BFF;
	s21 =	sshll.u32 s6, $0x1;
	s3 =	sadd.s32 s4, s19  }
0x9c: {  	s7 =	simm.s32 $0x0;
	s20 =	sshll.u32 s5, $0x1;
	s5 =	sadd.s32 s21, s3  }
0x9d: {  	[timem:s7], [sflag:s22] =	dma.local [hbm:s5], s20  }
0x9e: {  	_ =	swait.ge [sflag:s22], s20  }
0x9f: {  	s4 =	ssub.s32 $0x0, s20;
	[sflag:s22] =	ssyncset.done $0x0  }
0xa0: {  	[sflag:s22] =	ssyncadd.s32 s4;
	_ =	sdelay $0x1  }
0xa1: {  	s23 =	simm.s32 $0x1B8B  }
0xa2: {  	_ =	swait.ge [sflag:s23], $0x1  }
0xa3: {  	[sflag:s23] =	ssyncset.done $0x0  }
0xa4: {  	s25 =	simm.s32 $0x1B8E;
	s24 =	sld [smem:$0x3FFE];
	[sflag:s23] =	ssyncadd.s32 $0xFFFFFFFF  }
0xa5: {  	s26 =	simm.s32 $execute0_lowered;
	[smem:$0x3FD2] =	sst s25  }
0xa6: {  	s5 =	sshll.u32 s26, $0x1;
	_ =	strace $0x80000046;
	[dreg:$0x1] =	wrdreg $0xFFFFFFFF  }
0xa7: {  	s28 =	simm.s32 $_size_execute0_lowered;
	s3 =	sadd.s32 s3, s5;
	[dreg:$0x0] =	wrdreg $0x0  }
0xa8: {  	s5 =	sshll.u32 s28, $0x1;
	[dreg:$0x2] =	wrdreg s3  }
0xa9: {  	[dreg:$0x3] =	wrdreg s5  }
0xaa: {  	[dreg:$0x4] =	wrdreg $0xC0  }
0xab: {  	_ =	task [dreg:s7], $0x5FFFF  }
0xac: {  	[dreg:$0x1] =	wrdreg $0xFFFFFFFF  }
0xad: {  	[dreg:$0x0] =	wrdreg $0x60  }
0xae: {  	[dreg:$0x2] =	wrdreg s2  }
0xaf: {  	[dreg:$0x3] =	wrdreg s24  }
0xb0: {  	[dreg:$0x4] =	wrdreg $0x68000  }
0xb1: {  	[dreg:$0x5] =	wrdreg $0x9  }
0xb2: {  	_ =	task.clear_ibuf [dreg:s7], $0x6FFFF;
	_ =	strace $0x90000046  }
0xb3: {  	s29 =	simm.s32 $0x9;
	_ =	strace $0x80000048  }
0xb4: {  	_ =	swait.ge [sflag:s29], $0x1  }
0xb5: {  	[sflag:s29] =	ssyncadd.s32 $0xFFFFFFFF  }
0xb6: {  	_ =	strace $0x90000048  }
0xb7: {  	_ =	sfence  }
0xb8: {  	s30 =	sld [smem:$0x0];
	_ =	sdelay $0x2  }
0xb9: {  	s31 =	sshll.u32 s1, $0xD;
	s1 =	sshrl.u32 s1, $0x2  }
0xba: {  	s3 =	sand.u32 $0x4000, s31;
	s1 =	sadd.s32 s1, s30  }
0xbb: {  	s0 =	sor.u32 s3, s0;
	s1 =	sshll.u32 s1, $0x11  }
0xbc: {  	s0 =	sor.u32 s1, s0  }
0xbd: {  	s0 =	sadd.s32 $0x8F2B, s0  }
0xbe: {  	[sflag:s0] =	ssyncadd.remote.s32 $0x1  }
0xbf: {  	_ =	sfence.sel $0xFFFF  }
0xc0: {  	[dreg:$0x0] =	wrdreg $0xFFFFFFFF;
	(pc) =	sbr.abs _section_cstart, $3  }
0xc1: {  	[dreg:$0x1] =	wrdreg $0xFFFFFFFF  }
0xc2: {  	_ =	task.clear_ibuf [dreg:s7], $0x2FFFF;
	_ =	strace $0x9FFFFFFF  }
0xc3: {  	(tm) =	ssettm $0x7FFFFFFF  }
tec
execute0_lowered:
.L_overlay_start_1:
0x0: {  	(tag) =	ssettag $0x1  }
0x1: {  	s9 =	rddreg [dreg:$0x0]  }
0x2: {  	s4 =	rddreg [dreg:$0x1];
	s0 =	srdreg.scid  }
0x3: {  	s2 =	rddreg [dreg:$0x2];
	s1 =	stileid.u32;
	s3 =	simm.s32 $0x0  }
0x4: {  	s13 =	simm.s32 $0x4000;
	s14 =	simm.s32 $0x80;
	s7 =	smul.u32 $0x13C00, s1  }
0x5: {  	s5 =	sand.u32 $0x1, s0;
	s0 =	rddreg [dreg:$0x3];
	s8 =	smul.u32 $0x4F000, s1  }
0x6: {  	s17 =	simm.s32 $0x0;
	[smem:$0x7FF] =	sst s3;
	s10 =	smul.u32 $0x2800, s1  }
0x7: {  	s15 =	sshll.u32 s1, $0x6;
	s6 =	smul.u32 $0x13C000, s5;
	_ =	strace $0x80000047  }
0x8: {  	s29 =	smul.u32 $0x28000, s5;
	s5 =	ssub.s32 $0x2, s5;
	s15 =	sor.u32 $0x1C01, s15  }
0x9: {  	s30 =	sshrl.u32 s5, $0x1;
	s31 =	sshrl.u32 s8, $0x2;
	s6 =	sadd.s32 s7, s6  }
0xa: {  	s12 =	ssub.s32 s5, s30;
	s7 =	sadd.s32 s10, s29;
	s6 =	sshrl.u32 s6, $0x3  }
0xb: {  	s10 =	sshrl.u32 s7, $0x3;
	s11 =	sadd.s32 s6, s4;
	s4 =	sadd.s32 s31, s2  }
0xc: {  	s9 =	sadd.s32 s9, s10;
	s5 =	sadd.s32 $0x4000, s4;
	s6 =	sadd.s32 $0x8000, s4  }
0xd: {  	s7 =	sadd.s32 $0xC000, s4;
	s8 =	sadd.s32 $0x10000, s4;
	s10 =	sadd.s32 $0xBA00, s11  }
0xe: {  	v0 =	vimm.f32 $0.0e+00;
	v1 =	vimm.f32 $1.000000000e+00;
	s11 =	smax.u32 s12, $0x1;
	s12 =	simm.s32 $0x1;
	s16 =	sshrl.u32 s4, $0x3  }
.LBB2_1:
0xf: {  	s18 =	simm.s32 $0x0;
	s19 =	simm.s32 $0x200  }
.LBB2_2:
0x10: {  	p0 =	sne.s32 s19, $0xFE00;
	[tilespmem:s18+$0x70] =	vst v0  }
0x11: {  	[tilespmem:s18+$0x0] =	vst v0  }
0x12: {  	[tilespmem:s18+$0x10] =	vst v0  }
.Ltmp0:
0x13: {  	[tilespmem:s18+$0x20] =	vst v0;
	(pc) =	sbr.rel @p0 .LBB2_2-.Ltmp0, $4  }
0x14: {  	[tilespmem:s18+$0x30] =	vst v0  }
0x15: {  	[tilespmem:s18+$0x40] =	vst v0  }
0x16: {  	[tilespmem:s18+$0x50] =	vst v0  }
0x17: {  	[tilespmem:s18+$0x60] =	vst v0;
	s18 =	sshra.s32 s19, $0x2;
	s19 =	sadd.s32 $0x200, s19  }
0x18: {  	[tilespmem:s18+$0x70] =	vst v0  }
0x19: {  	[tilespmem:s18+$0x0] =	vst v0  }
0x1a: {  	[tilespmem:s18+$0x10] =	vst v0  }
0x1b: {  	[tilespmem:s18+$0x20] =	vst v0  }
0x1c: {  	[tilespmem:s18+$0x30] =	vst v0  }
0x1d: {  	[tilespmem:s18+$0x40] =	vst v0  }
0x1e: {  	[tilespmem:s18+$0x50] =	vst v0  }
0x1f: {  	[tilespmem:s18+$0x60] =	vst v0;
	s31 =	simm.s32 $0x0  }
0x20: {  	[spmem:s4] =	stream.linear.scatter [tilespmem:s31], [sflag:$0x1], $0x4000, $0x38;
	[tilespmem:$0x1A400] =	vst v63  }
0x21: {  	_ =	swait.ge [sflag:s12], $0x4000  }
0x22: {  	[sflag:s12] =	ssyncset.done $0x0  }
0x23: {  	[sflag:s12] =	ssyncadd.s32 $0xFFFFC000  }
0x24: {  	[spmem:s5] =	stream.linear.scatter [tilespmem:s31], [sflag:$0x1], $0x4000, $0x38;
	[tilespmem:$0x1A400] =	vst v63  }
0x25: {  	_ =	swait.ge [sflag:s12], $0x4000  }
0x26: {  	[sflag:s12] =	ssyncset.done $0x0  }
0x27: {  	[sflag:s12] =	ssyncadd.s32 $0xFFFFC000  }
0x28: {  	[spmem:s6] =	stream.linear.scatter [tilespmem:s31], [sflag:$0x1], $0x4000, $0x38;
	[tilespmem:$0x1A400] =	vst v63  }
0x29: {  	_ =	swait.ge [sflag:s12], $0x4000  }
0x2a: {  	[sflag:s12] =	ssyncset.done $0x0  }
0x2b: {  	[sflag:s12] =	ssyncadd.s32 $0xFFFFC000  }
0x2c: {  	[spmem:s7] =	stream.linear.scatter [tilespmem:s31], [sflag:$0x1], $0x4000, $0x38;
	[tilespmem:$0x1A400] =	vst v63  }
0x2d: {  	_ =	swait.ge [sflag:s12], $0x4000  }
0x2e: {  	[sflag:s12] =	ssyncset.done $0x0  }
0x2f: {  	[sflag:s12] =	ssyncadd.s32 $0xFFFFC000  }
0x30: {  	[spmem:s8] =	stream.linear.scatter [tilespmem:s31], [sflag:$0x1], $0x3C00, $0x38;
	[tilespmem:$0x1A400] =	vst v63  }
0x31: {  	_ =	swait.ge [sflag:s12], $0x3C00  }
0x32: {  	[sflag:s12] =	ssyncset.done $0x0  }
0x33: {  	s18 =	simm.s32 $0x0;
	s19 =	simm.s32 $0x200;
	[sflag:s12] =	ssyncadd.s32 $0xFFFFC400  }
.LBB2_4:
0x34: {  	p0 =	sne.s32 s19, $0xFE00;
	[tilespmem:s18+$0x70] =	vst v1  }
0x35: {  	[tilespmem:s18+$0x0] =	vst v1  }
0x36: {  	[tilespmem:s18+$0x10] =	vst v1  }
.Ltmp1:
0x37: {  	[tilespmem:s18+$0x20] =	vst v1;
	(pc) =	sbr.rel @p0 .LBB2_4-.Ltmp1, $4  }
0x38: {  	[tilespmem:s18+$0x30] =	vst v1  }
0x39: {  	[tilespmem:s18+$0x40] =	vst v1  }
0x3a: {  	[tilespmem:s18+$0x50] =	vst v1  }
0x3b: {  	[tilespmem:s18+$0x60] =	vst v1;
	s18 =	sshra.s32 s19, $0x2;
	s19 =	sadd.s32 $0x200, s19  }
0x3c: {  	[tilespmem:s18+$0x70] =	vst v1  }
0x3d: {  	[tilespmem:s18+$0x0] =	vst v1  }
0x3e: {  	[tilespmem:s18+$0x10] =	vst v1  }
0x3f: {  	[tilespmem:s18+$0x20] =	vst v1  }
0x40: {  	[tilespmem:s18+$0x30] =	vst v1  }
0x41: {  	[tilespmem:s18+$0x40] =	vst v1  }
0x42: {  	[tilespmem:s18+$0x50] =	vst v1  }
0x43: {  	[tilespmem:s18+$0x60] =	vst v1;
	s30 =	simm.s32 $0x0  }
0x44: {  	[tilespmem:s13], [sflag:$0x1] =	stream.linear.gather [hbm4b:s9+s30], $0x2800, $0x38;
	[tilespmem:$0x1A400] =	vst v63  }
0x45: {  	_ =	swait.ge [sflag:s12], $0x2800  }
0x46: {  	[sflag:s12] =	ssyncset.done $0x0  }
0x47: {  	[sflag:s12] =	ssyncadd.s32 $0xFFFFD800  }
0x48: {  	s31 =	simm.s32 $0x4000;
	[bflag:$0x0] =	sbarrier.arrive $0xFFFF  }
0x49: {  	[spmem:s2] =	stream.indirect.scatter.add.f32 [tilespmem:s3], [sflag:$0x1], $0x80, s31, s14, $0xb8;
	[tilespmem:$0x1A400] =	vst v63  }
0x4a: {  	s18 =	simm.s32 $0x200;
	_ =	swait.ge [sflag:s12], $0x4000  }
.LBB2_6:
0x4b: {  	s19 =	sshra.s32 s18, $0x2;
	[sflag:s12] =	ssyncset.done $0x0;
	p0 =	sne.s32 s18, $0x9E00  }
.Ltmp2:
0x4c: {  	s19 =	sadd.s32 $0x4000, s19;
	[sflag:s12] =	ssyncadd.s32 $0xFFFFC000;
	(pc) =	sbr.rel @p0 .LBB2_6-.Ltmp2, $3  }
0x4d: {  	[spmem:s2] =	stream.indirect.scatter.add.f32 [tilespmem:s3], [sflag:$0x1], $0x80, s19, s14, $0xb8;
	[tilespmem:$0x1A400] =	vst v63  }
0x4e: {  	s18 =	sadd.s32 $0x200, s18;
	_ =	sdelay $0x1  }
0x4f: {  	_ =	swait.ge [sflag:s12], $0x4000  }
0x50: {  	[sflag:s12] =	ssyncset.done $0x0;
	s17 =	sadd.s32 $0x1, s17  }
0x51: {  	[sflag:s12] =	ssyncadd.s32 $0xFFFFC000;
	p0 =	sne.s32 s17, s11  }
.Ltmp3:
0x52: {  	[bflag:$0x0] =	sbarrier.arrive $0xFFFF;
	(pc) =	sbr.rel @p0 .LBB2_1-.Ltmp3, $4  }
0x53: {  	[hbm:s10], [sflag:s15] =	dma.local [spmem:s16], $0x2780  }
0x54: {  	_ =	swait.ge [sflag:s12], $0x2780  }
0x55: {  	[sflag:s12] =	ssyncset.done $0x0  }
0x56: {  	[sflag:s12] =	ssyncadd.s32 $0xFFFFD880  }
0x57: {  	_ =	sfence.sel $0x180000  }
0x58: {  	[bflag:$0x0] =	sbarrier.arrive $0xFFFF  }
0x59: {  	p0 =	sne.s32 s1, $0x0;
	_ =	strace $0x90000047  }
0x5a: {  	s0 =	sadd.s32 @!p0 $0x100000, s0;
	[bflag:$0x2] =	sbarrier.arrive $0xFFFF  }
0x5b: {  	[sflag:s0] =	ssyncadd.tile.s32 @!p0 $0x1;
	_ =	shalt  }
.Lfunc_end2:
_tile_overlayer_lowered:
.L_overlay_start_2:
0x5c: {  	(tag) =	ssettag $0x2  }
0x5d: {  	s0 =	rddreg [dreg:$0x0];
	s2 =	stileid.u32  }
0x5e: {  	s1 =	rddreg [dreg:$0x1];
	p0 =	sne.s32 s2, $0x0  }
0x5f: {  	s3 =	rddreg [dreg:$0x2];
	[bflag:$0x3] =	sbarrier.arrive $0xFFFF;
	s2 =	simm.s32 @!p0 $0x1C01  }
0x60: {  	[timem:s3], [sflag:s2] =	dma.local @!p0 [hbm:s0], s1  }
0x61: {  	s0 =	simm.s32 @!p0 $0x1  }
0x62: {  	_ =	swait.ge @!p0 [sflag:s0], s1  }
0x63: {  	s1 =	ssub.s32 @!p0 $0x0, s1;
	[sflag:s0] =	ssyncset.done @!p0 $0x0  }
0x64: {  	[sflag:s0] =	ssyncadd.s32 @!p0 s1  }
0x65: {  	[bflag:$0x3] =	sbarrier.arrive $0xFFFF  }
0x66: {  	_ =	shalt  }

</sc_bundles>
